<compile_context>
chip_gen: v7x
topology: tpu7x:2x2x1
jax: 0.10.2.dev20260603
libtpu: 0.0.44.dev20260713+nightly
codegen_flags: <defaults>
</compile_context>

<pallas_src>
import functools

import jax
import jax.numpy as jnp
from jax import lax
from jax.experimental import pallas as pl
from jax.experimental.pallas import tpu as pltpu
from jax.experimental.pallas import tpu_sc as plsc

N = 10000
E = 320000
D = 128
NC = 2
NS = 16
NW = NC * NS
CH = 128
NCH = 80
E_PAD = NW * NCH * CH
NCHT = NW * NCH
NCH0 = 136
NCH1 = 24
NCHMAX = 72
ACC_ROWS = 10240
RPT = ACC_ROWS // NS
HW = 128
BR = 1000

_MESH = plsc.VectorSubcoreMesh(core_axis_name="c", subcore_axis_name="s")



@functools.partial(
    pl.kernel,
    out_type=jax.ShapeDtypeStruct((NC * ACC_ROWS, HW), jnp.float32),
    mesh=_MESH,
    scratch_types=[
        pltpu.VMEM((NCH, CH), jnp.int32),
        pltpu.VMEM((CH, HW), jnp.float32),
        pltpu.VMEM_SHARED((ACC_ROWS, HW), jnp.float32),
    ],
)
def _hist_kernel(dst_hbm, ones_hbm, zeros_hbm, out_hbm, dst_v, ones_v, acc):
    cid = lax.axis_index("c")
    sid = lax.axis_index("s")
    wid = cid * NS + sid
    pltpu.sync_copy(zeros_hbm.at[pl.ds(sid * RPT, RPT)],
                    acc.at[pl.ds(sid * RPT, RPT)])
    pltpu.sync_copy(dst_hbm.at[wid], dst_v)
    pltpu.sync_copy(ones_hbm, ones_v)
    plsc.subcore_barrier()

    def body(c, carry):
        pltpu.sync_copy(ones_v, acc.at[dst_v.at[c]], add=True)
        return carry

    lax.fori_loop(0, NCH, body, 0)
    plsc.subcore_barrier()
    pltpu.sync_copy(acc.at[pl.ds(sid * RPT, RPT)],
                    out_hbm.at[pl.ds(cid * ACC_ROWS + sid * RPT, RPT)])


@functools.partial(
    pl.kernel,
    out_type=jax.ShapeDtypeStruct((NC * ACC_ROWS, D), jnp.float32),
    mesh=_MESH,
    scratch_types=[
        pltpu.VMEM((NCHMAX, CH), jnp.int32),
        pltpu.VMEM((NCHMAX, CH), jnp.int32),
        pltpu.VMEM((CH, D), jnp.float32),
        pltpu.VMEM_SHARED((ACC_ROWS, D), jnp.float32),
    ],
)
def _gather_scatter_kernel(table_hbm, src_hbm, dst_hbm, zeros_hbm, out_hbm,
                           src_v, dst_v, rows_v, acc):
    cid = lax.axis_index("c")
    sid = lax.axis_index("s")
    pltpu.sync_copy(zeros_hbm.at[pl.ds(sid * RPT, RPT)],
                    acc.at[pl.ds(sid * RPT, RPT)])
    def run_round(start, cnt):
        pltpu.sync_copy(src_hbm.at[pl.ds(start, cnt)],
                        src_v.at[pl.ds(0, cnt)])
        pltpu.sync_copy(dst_hbm.at[pl.ds(start, cnt)],
                        dst_v.at[pl.ds(0, cnt)])

        def body(c, carry):
            pltpu.sync_copy(table_hbm.at[src_v.at[c]], rows_v)
            pltpu.sync_copy(rows_v, acc.at[dst_v.at[c]], add=True)
            return carry

        lax.fori_loop(0, cnt, body, 0)

    @pl.when(cid == 0)
    def _():
        run_round(sid * NCH0, NCHMAX)
        run_round(sid * NCH0 + NCHMAX, NCH0 - NCHMAX)

    @pl.when(cid == 1)
    def _():
        run_round(NS * NCH0 + sid * NCH1, NCH1)

    plsc.subcore_barrier()
    pltpu.sync_copy(acc.at[pl.ds(sid * RPT, RPT)],
                    out_hbm.at[pl.ds(cid * ACC_ROWS + sid * RPT, RPT)])



def _dinv(hist_ref):
    deg = hist_ref[0, :, 0:1] + hist_ref[1, :, 0:1] + 1.0
    return lax.rsqrt(deg)


def _mm_scale_body(hist_ref, x_ref, w_ref, o_ref):
    h = jnp.dot(x_ref[...], w_ref[...], preferred_element_type=jnp.float32)
    o_ref[...] = h * _dinv(hist_ref)


def _mid_body(hist_ref, s_ref, hp_ref, b_ref, w_ref, o_ref):
    dinv = _dinv(hist_ref)
    z = (s_ref[0] + s_ref[1] + hp_ref[...]) * dinv + b_ref[...]
    z = jnp.maximum(z, 0.0)
    h = jnp.dot(z, w_ref[...], preferred_element_type=jnp.float32)
    o_ref[...] = h * dinv


def _fin_body(hist_ref, s_ref, hp_ref, b_ref, o_ref):
    o_ref[...] = ((s_ref[0] + s_ref[1] + hp_ref[...]) * _dinv(hist_ref)
                  + b_ref[...])


_hist_spec = pl.BlockSpec((NC, BR, HW), lambda i: (0, i, 0))
_row_spec = pl.BlockSpec((BR, D), lambda i: (i, 0))
_s_spec = pl.BlockSpec((NC, BR, D), lambda i: (0, i, 0))
_w_spec = pl.BlockSpec((D, D), lambda i: (0, 0))
_b_spec = pl.BlockSpec((1, D), lambda i: (0, 0))
_out_struct = jax.ShapeDtypeStruct((N, D), jnp.float32)

_mm_scale = pl.pallas_call(
    _mm_scale_body, grid=(N // BR,),
    in_specs=[_hist_spec, _row_spec, _w_spec],
    out_specs=_row_spec, out_shape=_out_struct)

_mid = pl.pallas_call(
    _mid_body, grid=(N // BR,),
    in_specs=[_hist_spec, _s_spec, _row_spec, _b_spec, _w_spec],
    out_specs=_row_spec, out_shape=_out_struct)

_fin = pl.pallas_call(
    _fin_body, grid=(N // BR,),
    in_specs=[_hist_spec, _s_spec, _row_spec, _b_spec],
    out_specs=_row_spec, out_shape=_out_struct)



def kernel(x, edge_index, W1, b1, W2, b2):
    ei = edge_index.astype(jnp.int32)
    pad = E_PAD - E
    src_flat = jnp.concatenate([ei[0], jnp.zeros((pad,), jnp.int32)])
    dst_flat = jnp.concatenate([ei[1], jnp.full((pad,), N, jnp.int32)])
    src_p = src_flat.reshape(NCHT, CH)
    dst_p = dst_flat.reshape(NCHT, CH)
    dst_p32 = dst_flat.reshape(NW, NCH, CH)
    ones_h = jnp.ones((CH, HW), jnp.float32)
    zeros_h = jnp.zeros((ACC_ROWS, HW), jnp.float32)
    zeros_d = jnp.zeros((ACC_ROWS, D), jnp.float32)
    b1r = b1.reshape(1, D)
    b2r = b2.reshape(1, D)

    hist = _hist_kernel(dst_p32, ones_h, zeros_h).reshape(NC, ACC_ROWS, HW)
    h1p = _mm_scale(hist, x, W1)
    s1 = _gather_scatter_kernel(h1p, src_p, dst_p, zeros_d)
    h2p = _mid(hist, s1.reshape(NC, ACC_ROWS, D), h1p, b1r, W2)
    s2 = _gather_scatter_kernel(h2p, src_p, dst_p, zeros_d)
    return _fin(hist, s2.reshape(NC, ACC_ROWS, D), h2p, b2r)

# --- scband reference (transcript-rebuilt; emitter-appended) ---
"""Pipeline reference for scband-gcn-net-22308060135605 (READ-ONLY COPY).

The authoritative reference and input builder live on the scoring server;
editing this copy changes nothing except your own understanding.
"""

import jax, jax.numpy as jnp
import numpy as np

N_NODES = 10000
N_EDGES = 320000
D_IN = 128
NHID = 128
NOUT = 128


def gcn_conv(x, edge_index, W, b):
    # Faithful PyG GCNConv: add self-loops, symmetric normalization,
    # linear transform, scatter-add aggregation, bias.
    N = x.shape[0]
    src = edge_index[0]
    dst = edge_index[1]
    loop = jnp.arange(N, dtype=src.dtype)
    src = jnp.concatenate([src, loop])
    dst = jnp.concatenate([dst, loop])
    ew = jnp.ones(src.shape[0], dtype=x.dtype)
    deg = jnp.zeros((N,), dtype=x.dtype).at[dst].add(ew)
    deg_inv_sqrt = jnp.where(deg > 0, deg ** -0.5, 0.0)
    norm = deg_inv_sqrt[src] * deg_inv_sqrt[dst]
    h = x @ W  # [N, out]
    msg = h[src] * norm[:, None]  # gather + scale per edge
    out = jnp.zeros((N, W.shape[1]), dtype=x.dtype).at[dst].add(msg)  # scatter-add
    return out + b


def setup_inputs(seed: int = 0) -> dict:
    key = jax.random.key(seed)
    k1, k2, k3, k4, k5, k6 = jax.random.split(key, 6)
    x = jax.random.normal(k1, (N_NODES, D_IN), dtype=jnp.float32)
    edge_index = jax.random.randint(k2, (2, N_EDGES), 0, N_NODES, dtype=jnp.int64)
    # Glorot init like PyG GCNConv
    s1 = (6.0 / (D_IN + NHID)) ** 0.5
    W1 = jax.random.uniform(k3, (D_IN, NHID), dtype=jnp.float32, minval=-s1, maxval=s1)
    b1 = jnp.zeros((NHID,), dtype=jnp.float32)
    s2 = (6.0 / (NHID + NOUT)) ** 0.5
    W2 = jax.random.uniform(k4, (NHID, NOUT), dtype=jnp.float32, minval=-s2, maxval=s2)
    b2 = jnp.zeros((NOUT,), dtype=jnp.float32)
    return {"x": x, "edge_index": edge_index, "W1": W1, "b1": b1, "W2": W2, "b2": b2}


def reference(x, edge_index, W1, b1, W2, b2):
    h = gcn_conv(x, edge_index, W1, b1)
    h = jax.nn.relu(h)
    # F.dropout with training=False (inference) is identity
    out = gcn_conv(h, edge_index, W2, b2)
    return out

if __name__ == "__main__":
    import jax
    _d = setup_inputs()
    print(jax.jit(kernel)(*tuple(_d.values())))

</pallas_src>

<mosaic_0001>
#map = affine_map<(d0, d1) -> (0, 0, 0)>
#map1 = affine_map<(d0, d1) -> (0, 0)>
module attributes {stable_mosaic.version = 14 : i64} {
  func.func @_hist_kernel(%arg0: i32, %arg1: i32, %arg2: memref<32x80x128xi32, #tpu.memory_space<hbm>>, %arg3: memref<128x128xf32, #tpu.memory_space<hbm>>, %arg4: memref<10240x128xf32, #tpu.memory_space<hbm>>, %arg5: memref<20480x128xf32, #tpu.memory_space<hbm>>, %arg6: memref<80x128xi32, #tpu.memory_space<vmem>>, %arg7: memref<128x128xf32, #tpu.memory_space<vmem>>, %arg8: memref<10240x128xf32, #tpu.memory_space<vmem_shared>>) attributes {dimension_semantics = [#tpu.dimension_semantics<core_parallel>, #tpu.dimension_semantics<subcore_parallel>], iteration_bounds = array<i64: 2, 16>, scalar_prefetch = 0 : i64, scratch_operands = 3 : i64, tpu.core_type = #tpu.core_type<sc_vector_subcore>, window_params = [{transform_indices = #map}, {transform_indices = #map1}, {transform_indices = #map1}, {transform_indices = #map1}]} {
    %mul3A = arith.constant 16 : i32
    %mul3A_0 = arith.muli %arg0, %mul3A : i32
    %add3A = arith.addi %mul3A_0, %arg1 : i32
    %mul3A_1 = arith.constant 640 : i32
    %mul3A_2 = arith.muli %arg1, %mul3A_1 : i32
    %mul3A_3 = arith.constant 640 : i32
    %mul3A_4 = arith.muli %arg1, %mul3A_3 : i32
    "tpu.region"() ({
      %run_scoped3A = tpu.sem_alloc : memref<!tpu.dma_semaphore, #tpu.memory_space<semaphore_mem>>
      %dma_start3A = arith.constant 0 : i32
      %dma_start3A_18 = tpu.memref_slice %arg8[%mul3A_4, %dma_start3A] : memref<10240x128xf32, #tpu.memory_space<vmem_shared>> -> memref<640x128xf32, #tpu.memory_space<vmem_shared>>
      %dma_start3A_19 = arith.constant 0 : i32
      %dma_start3A_20 = tpu.memref_slice %arg4[%mul3A_2, %dma_start3A_19] : memref<10240x128xf32, #tpu.memory_space<hbm>> -> memref<640x128xf32, #tpu.memory_space<hbm>>
      tpu.enqueue_dma source(%dma_start3A_20 : memref<640x128xf32, #tpu.memory_space<hbm>>) target(%dma_start3A_18 : memref<640x128xf32, #tpu.memory_space<vmem_shared>>) target_semaphore(%run_scoped3A : memref<!tpu.dma_semaphore, #tpu.memory_space<semaphore_mem>>)
      %dma_wait3A = arith.constant 0 : i32
      %dma_wait3A_21 = tpu.memref_slice %arg8[%mul3A_4, %dma_wait3A] : memref<10240x128xf32, #tpu.memory_space<vmem_shared>> -> memref<640x128xf32, #tpu.memory_space<vmem_shared>>
      %dma_wait3A_22 = arith.constant 0 : i32
      %dma_wait3A_23 = tpu.memref_slice %arg4[%mul3A_2, %dma_wait3A_22] : memref<10240x128xf32, #tpu.memory_space<hbm>> -> memref<640x128xf32, #tpu.memory_space<hbm>>
      tpu.wait_dma2 semaphore(%run_scoped3A : memref<!tpu.dma_semaphore, #tpu.memory_space<semaphore_mem>>) src(%dma_wait3A_23 : memref<640x128xf32, #tpu.memory_space<hbm>>) dst(%dma_wait3A_21 : memref<640x128xf32, #tpu.memory_space<vmem_shared>>)
      tpu.yield
    }) : () -> ()
    "tpu.region"() ({
      %run_scoped3A = tpu.sem_alloc : memref<!tpu.dma_semaphore, #tpu.memory_space<semaphore_mem>>
      %dma_start3A = arith.constant 0 : i32
      %dma_start3A_18 = arith.constant 0 : i32
      %dma_start3A_19 = tpu.memref_slice %arg2[%add3A, %dma_start3A, %dma_start3A_18] : memref<32x80x128xi32, #tpu.memory_space<hbm>> -> memref<1x80x128xi32, #tpu.memory_space<hbm>>
      %dma_start3A_20 = tpu.memref_squeeze %dma_start3A_19 : memref<1x80x128xi32, #tpu.memory_space<hbm>> -> memref<80x128xi32, #tpu.memory_space<hbm>>
      %dma_start3A_21 = arith.constant 0 : i32
      %dma_start3A_22 = arith.constant 0 : i32
      %dma_start3A_23 = tpu.memref_slice %arg2[%add3A, %dma_start3A_21, %dma_start3A_22] : memref<32x80x128xi32, #tpu.memory_space<hbm>> -> memref<1x80x128xi32, #tpu.memory_space<hbm>>
      %dma_start3A_24 = tpu.memref_squeeze %dma_start3A_23 : memref<1x80x128xi32, #tpu.memory_space<hbm>> -> memref<80x128xi32, #tpu.memory_space<hbm>>
      tpu.enqueue_dma source(%dma_start3A_24 : memref<80x128xi32, #tpu.memory_space<hbm>>) target(%arg6 : memref<80x128xi32, #tpu.memory_space<vmem>>) target_semaphore(%run_scoped3A : memref<!tpu.dma_semaphore, #tpu.memory_space<semaphore_mem>>)
      %dma_wait3A = arith.constant 0 : i32
      %dma_wait3A_25 = arith.constant 0 : i32
      %dma_wait3A_26 = tpu.memref_slice %arg2[%add3A, %dma_wait3A, %dma_wait3A_25] : memref<32x80x128xi32, #tpu.memory_space<hbm>> -> memref<1x80x128xi32, #tpu.memory_space<hbm>>
      %dma_wait3A_27 = tpu.memref_squeeze %dma_wait3A_26 : memref<1x80x128xi32, #tpu.memory_space<hbm>> -> memref<80x128xi32, #tpu.memory_space<hbm>>
      %dma_wait3A_28 = arith.constant 0 : i32
      %dma_wait3A_29 = arith.constant 0 : i32
      %dma_wait3A_30 = tpu.memref_slice %arg2[%add3A, %dma_wait3A_28, %dma_wait3A_29] : memref<32x80x128xi32, #tpu.memory_space<hbm>> -> memref<1x80x128xi32, #tpu.memory_space<hbm>>
      %dma_wait3A_31 = tpu.memref_squeeze %dma_wait3A_30 : memref<1x80x128xi32, #tpu.memory_space<hbm>> -> memref<80x128xi32, #tpu.memory_space<hbm>>
      tpu.wait_dma2 semaphore(%run_scoped3A : memref<!tpu.dma_semaphore, #tpu.memory_space<semaphore_mem>>) src(%dma_wait3A_31 : memref<80x128xi32, #tpu.memory_space<hbm>>) dst(%arg6 : memref<80x128xi32, #tpu.memory_space<vmem>>)
      tpu.yield
    }) : () -> ()
    "tpu.region"() ({
      %run_scoped3A = tpu.sem_alloc : memref<!tpu.dma_semaphore, #tpu.memory_space<semaphore_mem>>
      tpu.enqueue_dma source(%arg3 : memref<128x128xf32, #tpu.memory_space<hbm>>) target(%arg7 : memref<128x128xf32, #tpu.memory_space<vmem>>) target_semaphore(%run_scoped3A : memref<!tpu.dma_semaphore, #tpu.memory_space<semaphore_mem>>)
      tpu.wait_dma2 semaphore(%run_scoped3A : memref<!tpu.dma_semaphore, #tpu.memory_space<semaphore_mem>>) src(%arg3 : memref<128x128xf32, #tpu.memory_space<hbm>>) dst(%arg7 : memref<128x128xf32, #tpu.memory_space<vmem>>)
      tpu.yield
    }) : () -> ()
    %barrier3A = arith.constant 0 : index
    tpu.barrier barrier_id(%barrier3A)
    %scan3A = arith.constant 0 : i32
    %scan3A_5 = arith.constant 0 : i32
    %scan3A_6 = arith.constant 80 : i32
    %scan3A_7 = arith.addi %scan3A_5, %scan3A_6 : i32
    %scan3A_8 = arith.constant 1 : i32
    scf.for %scan3A_18 = %scan3A_5 to %scan3A_7 step %scan3A_8  : i32 {
      "tpu.region"() ({
        %run_scoped3A = tpu.sem_alloc : memref<!tpu.dma_semaphore, #tpu.memory_space<semaphore_mem>>
        %dma_start3A = arith.constant 0 : i32
        %dma_start3A_19 = tpu.memref_slice %arg6[%scan3A_18, %dma_start3A] : memref<80x128xi32, #tpu.memory_space<vmem>> -> memref<1x128xi32, #tpu.memory_space<vmem>>
        %dma_start3A_20 = tpu.memref_squeeze %dma_start3A_19 : memref<1x128xi32, #tpu.memory_space<vmem>> -> memref<128xi32, #tpu.memory_space<vmem>>
        %dma_start3A_21 = arith.constant 0 : i32
        %dma_start3A_22 = arith.constant 0 : i32
        %dma_start3A_23 = tpu.memref_slice %arg8[%dma_start3A_21, %dma_start3A_22] : memref<10240x128xf32, #tpu.memory_space<vmem_shared>> -> memref<10240x128xf32, #tpu.memory_space<vmem_shared>>
        tpu.enqueue_indirect_dma source(%arg7 : memref<128x128xf32, #tpu.memory_space<vmem>>) target(%dma_start3A_23 : memref<10240x128xf32, #tpu.memory_space<vmem_shared>>) offsets(%dma_start3A_20 : memref<128xi32, #tpu.memory_space<vmem>>) semaphore(%run_scoped3A : memref<!tpu.dma_semaphore, #tpu.memory_space<semaphore_mem>>) {add = true}
        %dma_wait3A = arith.constant 0 : i32
        %dma_wait3A_24 = tpu.memref_slice %arg6[%scan3A_18, %dma_wait3A] : memref<80x128xi32, #tpu.memory_space<vmem>> -> memref<1x128xi32, #tpu.memory_space<vmem>>
        %dma_wait3A_25 = tpu.memref_squeeze %dma_wait3A_24 : memref<1x128xi32, #tpu.memory_space<vmem>> -> memref<128xi32, #tpu.memory_space<vmem>>
        %dma_wait3A_26 = arith.constant 0 : i32
        %dma_wait3A_27 = arith.constant 0 : i32
        %dma_wait3A_28 = tpu.memref_slice %arg8[%dma_wait3A_26, %dma_wait3A_27] : memref<10240x128xf32, #tpu.memory_space<vmem_shared>> -> memref<10240x128xf32, #tpu.memory_space<vmem_shared>>
        tpu.wait_indirect_dma semaphore(%run_scoped3A : memref<!tpu.dma_semaphore, #tpu.memory_space<semaphore_mem>>) src(%arg7 : memref<128x128xf32, #tpu.memory_space<vmem>>) dst(%dma_wait3A_28 : memref<10240x128xf32, #tpu.memory_space<vmem_shared>>)
        tpu.yield
      }) : () -> ()
    }
    %scan3A_9 = arith.constant 80 : i32
    %barrier3A_10 = arith.constant 0 : index
    tpu.barrier barrier_id(%barrier3A_10)
    %mul3A_11 = arith.constant 640 : i32
    %mul3A_12 = arith.muli %arg1, %mul3A_11 : i32
    %mul3A_13 = arith.constant 10240 : i32
    %mul3A_14 = arith.muli %arg0, %mul3A_13 : i32
    %mul3A_15 = arith.constant 640 : i32
    %mul3A_16 = arith.muli %arg1, %mul3A_15 : i32
    %add3A_17 = arith.addi %mul3A_14, %mul3A_16 : i32
    "tpu.region"() ({
      %run_scoped3A = tpu.sem_alloc : memref<!tpu.dma_semaphore, #tpu.memory_space<semaphore_mem>>
      %dma_start3A = arith.constant 0 : i32
      %dma_start3A_18 = tpu.memref_slice %arg5[%add3A_17, %dma_start3A] : memref<20480x128xf32, #tpu.memory_space<hbm>> -> memref<640x128xf32, #tpu.memory_space<hbm>>
      %dma_start3A_19 = arith.constant 0 : i32
      %dma_start3A_20 = tpu.memref_slice %arg8[%mul3A_12, %dma_start3A_19] : memref<10240x128xf32, #tpu.memory_space<vmem_shared>> -> memref<640x128xf32, #tpu.memory_space<vmem_shared>>
      tpu.enqueue_dma source(%dma_start3A_20 : memref<640x128xf32, #tpu.memory_space<vmem_shared>>) target(%dma_start3A_18 : memref<640x128xf32, #tpu.memory_space<hbm>>) target_semaphore(%run_scoped3A : memref<!tpu.dma_semaphore, #tpu.memory_space<semaphore_mem>>)
      %dma_wait3A = arith.constant 0 : i32
      %dma_wait3A_21 = tpu.memref_slice %arg5[%add3A_17, %dma_wait3A] : memref<20480x128xf32, #tpu.memory_space<hbm>> -> memref<640x128xf32, #tpu.memory_space<hbm>>
      %dma_wait3A_22 = arith.constant 0 : i32
      %dma_wait3A_23 = tpu.memref_slice %arg8[%mul3A_12, %dma_wait3A_22] : memref<10240x128xf32, #tpu.memory_space<vmem_shared>> -> memref<640x128xf32, #tpu.memory_space<vmem_shared>>
      tpu.wait_dma2 semaphore(%run_scoped3A : memref<!tpu.dma_semaphore, #tpu.memory_space<semaphore_mem>>) src(%dma_wait3A_23 : memref<640x128xf32, #tpu.memory_space<vmem_shared>>) dst(%dma_wait3A_21 : memref<640x128xf32, #tpu.memory_space<hbm>>)
      tpu.yield
    }) : () -> ()
    return
  }
}

#map = affine_map<(d0, d1) -> (0, 0)>
module attributes {stable_mosaic.version = 14 : i64} {
  func.func @_gather_scatter_kernel(%arg0: i32, %arg1: i32, %arg2: memref<10000x128xf32, #tpu.memory_space<hbm>>, %arg3: memref<2560x128xi32, #tpu.memory_space<hbm>>, %arg4: memref<2560x128xi32, #tpu.memory_space<hbm>>, %arg5: memref<10240x128xf32, #tpu.memory_space<hbm>>, %arg6: memref<20480x128xf32, #tpu.memory_space<hbm>>, %arg7: memref<72x128xi32, #tpu.memory_space<vmem>>, %arg8: memref<72x128xi32, #tpu.memory_space<vmem>>, %arg9: memref<128x128xf32, #tpu.memory_space<vmem>>, %arg10: memref<10240x128xf32, #tpu.memory_space<vmem_shared>>) attributes {dimension_semantics = [#tpu.dimension_semantics<core_parallel>, #tpu.dimension_semantics<subcore_parallel>], iteration_bounds = array<i64: 2, 16>, scalar_prefetch = 0 : i64, scratch_operands = 4 : i64, tpu.core_type = #tpu.core_type<sc_vector_subcore>, window_params = [{transform_indices = #map}, {transform_indices = #map}, {transform_indices = #map}, {transform_indices = #map}, {transform_indices = #map}]} {
    %mul3A = arith.constant 640 : i32
    %mul3A_0 = arith.muli %arg1, %mul3A : i32
    %mul3A_1 = arith.constant 640 : i32
    %mul3A_2 = arith.muli %arg1, %mul3A_1 : i32
    "tpu.region"() ({
      %run_scoped3A = tpu.sem_alloc : memref<!tpu.dma_semaphore, #tpu.memory_space<semaphore_mem>>
      %dma_start3A = arith.constant 0 : i32
      %dma_start3A_16 = tpu.memref_slice %arg10[%mul3A_2, %dma_start3A] : memref<10240x128xf32, #tpu.memory_space<vmem_shared>> -> memref<640x128xf32, #tpu.memory_space<vmem_shared>>
      %dma_start3A_17 = arith.constant 0 : i32
      %dma_start3A_18 = tpu.memref_slice %arg5[%mul3A_0, %dma_start3A_17] : memref<10240x128xf32, #tpu.memory_space<hbm>> -> memref<640x128xf32, #tpu.memory_space<hbm>>
      tpu.enqueue_dma source(%dma_start3A_18 : memref<640x128xf32, #tpu.memory_space<hbm>>) target(%dma_start3A_16 : memref<640x128xf32, #tpu.memory_space<vmem_shared>>) target_semaphore(%run_scoped3A : memref<!tpu.dma_semaphore, #tpu.memory_space<semaphore_mem>>)
      %dma_wait3A = arith.constant 0 : i32
      %dma_wait3A_19 = tpu.memref_slice %arg10[%mul3A_2, %dma_wait3A] : memref<10240x128xf32, #tpu.memory_space<vmem_shared>> -> memref<640x128xf32, #tpu.memory_space<vmem_shared>>
      %dma_wait3A_20 = arith.constant 0 : i32
      %dma_wait3A_21 = tpu.memref_slice %arg5[%mul3A_0, %dma_wait3A_20] : memref<10240x128xf32, #tpu.memory_space<hbm>> -> memref<640x128xf32, #tpu.memory_space<hbm>>
      tpu.wait_dma2 semaphore(%run_scoped3A : memref<!tpu.dma_semaphore, #tpu.memory_space<semaphore_mem>>) src(%dma_wait3A_21 : memref<640x128xf32, #tpu.memory_space<hbm>>) dst(%dma_wait3A_19 : memref<640x128xf32, #tpu.memory_space<vmem_shared>>)
      tpu.yield
    }) : () -> ()
    %eq3A = arith.constant 0 : i32
    %eq3A_3 = arith.cmpi eq, %arg0, %eq3A : i32
    %convert_element_type3A = arith.extui %eq3A_3 : i1 to i32
    %cond3A = arith.constant 0 : i32
    %cond3A_4 = arith.cmpi ne, %convert_element_type3A, %cond3A : i32
    scf.if %cond3A_4 {
      %mul3A_16 = arith.constant 136 : i32
      %mul3A_17 = arith.muli %arg1, %mul3A_16 : i32
      "tpu.region"() ({
        %run_scoped3A = tpu.sem_alloc : memref<!tpu.dma_semaphore, #tpu.memory_space<semaphore_mem>>
        %dma_start3A = arith.constant 0 : i32
        %dma_start3A_33 = arith.constant 0 : i32
        %dma_start3A_34 = tpu.memref_slice %arg7[%dma_start3A, %dma_start3A_33] : memref<72x128xi32, #tpu.memory_space<vmem>> -> memref<72x128xi32, #tpu.memory_space<vmem>>
        %dma_start3A_35 = arith.constant 0 : i32
        %dma_start3A_36 = tpu.memref_slice %arg3[%mul3A_17, %dma_start3A_35] : memref<2560x128xi32, #tpu.memory_space<hbm>> -> memref<72x128xi32, #tpu.memory_space<hbm>>
        %dma_start3A_37 = arith.constant 0 : i32
        %dma_start3A_38 = arith.constant 0 : i32
        %dma_start3A_39 = tpu.memref_slice %arg7[%dma_start3A_37, %dma_start3A_38] : memref<72x128xi32, #tpu.memory_space<vmem>> -> memref<72x128xi32, #tpu.memory_space<vmem>>
        %dma_start3A_40 = arith.constant 0 : i32
        %dma_start3A_41 = tpu.memref_slice %arg3[%mul3A_17, %dma_start3A_40] : memref<2560x128xi32, #tpu.memory_space<hbm>> -> memref<72x128xi32, #tpu.memory_space<hbm>>
        tpu.enqueue_dma source(%dma_start3A_41 : memref<72x128xi32, #tpu.memory_space<hbm>>) target(%dma_start3A_39 : memref<72x128xi32, #tpu.memory_space<vmem>>) target_semaphore(%run_scoped3A : memref<!tpu.dma_semaphore, #tpu.memory_space<semaphore_mem>>)
        %dma_wait3A = arith.constant 0 : i32
        %dma_wait3A_42 = arith.constant 0 : i32
        %dma_wait3A_43 = tpu.memref_slice %arg7[%dma_wait3A, %dma_wait3A_42] : memref<72x128xi32, #tpu.memory_space<vmem>> -> memref<72x128xi32, #tpu.memory_space<vmem>>
        %dma_wait3A_44 = arith.constant 0 : i32
        %dma_wait3A_45 = tpu.memref_slice %arg3[%mul3A_17, %dma_wait3A_44] : memref<2560x128xi32, #tpu.memory_space<hbm>> -> memref<72x128xi32, #tpu.memory_space<hbm>>
        %dma_wait3A_46 = arith.constant 0 : i32
        %dma_wait3A_47 = arith.constant 0 : i32
        %dma_wait3A_48 = tpu.memref_slice %arg7[%dma_wait3A_46, %dma_wait3A_47] : memref<72x128xi32, #tpu.memory_space<vmem>> -> memref<72x128xi32, #tpu.memory_space<vmem>>
        %dma_wait3A_49 = arith.constant 0 : i32
        %dma_wait3A_50 = tpu.memref_slice %arg3[%mul3A_17, %dma_wait3A_49] : memref<2560x128xi32, #tpu.memory_space<hbm>> -> memref<72x128xi32, #tpu.memory_space<hbm>>
        tpu.wait_dma2 semaphore(%run_scoped3A : memref<!tpu.dma_semaphore, #tpu.memory_space<semaphore_mem>>) src(%dma_wait3A_50 : memref<72x128xi32, #tpu.memory_space<hbm>>) dst(%dma_wait3A_48 : memref<72x128xi32, #tpu.memory_space<vmem>>)
        tpu.yield
      }) : () -> ()
      "tpu.region"() ({
        %run_scoped3A = tpu.sem_alloc : memref<!tpu.dma_semaphore, #tpu.memory_space<semaphore_mem>>
        %dma_start3A = arith.constant 0 : i32
        %dma_start3A_33 = arith.constant 0 : i32
        %dma_start3A_34 = tpu.memref_slice %arg8[%dma_start3A, %dma_start3A_33] : memref<72x128xi32, #tpu.memory_space<vmem>> -> memref<72x128xi32, #tpu.memory_space<vmem>>
        %dma_start3A_35 = arith.constant 0 : i32
        %dma_start3A_36 = tpu.memref_slice %arg4[%mul3A_17, %dma_start3A_35] : memref<2560x128xi32, #tpu.memory_space<hbm>> -> memref<72x128xi32, #tpu.memory_space<hbm>>
        %dma_start3A_37 = arith.constant 0 : i32
        %dma_start3A_38 = arith.constant 0 : i32
        %dma_start3A_39 = tpu.memref_slice %arg8[%dma_start3A_37, %dma_start3A_38] : memref<72x128xi32, #tpu.memory_space<vmem>> -> memref<72x128xi32, #tpu.memory_space<vmem>>
        %dma_start3A_40 = arith.constant 0 : i32
        %dma_start3A_41 = tpu.memref_slice %arg4[%mul3A_17, %dma_start3A_40] : memref<2560x128xi32, #tpu.memory_space<hbm>> -> memref<72x128xi32, #tpu.memory_space<hbm>>
        tpu.enqueue_dma source(%dma_start3A_41 : memref<72x128xi32, #tpu.memory_space<hbm>>) target(%dma_start3A_39 : memref<72x128xi32, #tpu.memory_space<vmem>>) target_semaphore(%run_scoped3A : memref<!tpu.dma_semaphore, #tpu.memory_space<semaphore_mem>>)
        %dma_wait3A = arith.constant 0 : i32
        %dma_wait3A_42 = arith.constant 0 : i32
        %dma_wait3A_43 = tpu.memref_slice %arg8[%dma_wait3A, %dma_wait3A_42] : memref<72x128xi32, #tpu.memory_space<vmem>> -> memref<72x128xi32, #tpu.memory_space<vmem>>
        %dma_wait3A_44 = arith.constant 0 : i32
        %dma_wait3A_45 = tpu.memref_slice %arg4[%mul3A_17, %dma_wait3A_44] : memref<2560x128xi32, #tpu.memory_space<hbm>> -> memref<72x128xi32, #tpu.memory_space<hbm>>
        %dma_wait3A_46 = arith.constant 0 : i32
        %dma_wait3A_47 = arith.constant 0 : i32
        %dma_wait3A_48 = tpu.memref_slice %arg8[%dma_wait3A_46, %dma_wait3A_47] : memref<72x128xi32, #tpu.memory_space<vmem>> -> memref<72x128xi32, #tpu.memory_space<vmem>>
        %dma_wait3A_49 = arith.constant 0 : i32
        %dma_wait3A_50 = tpu.memref_slice %arg4[%mul3A_17, %dma_wait3A_49] : memref<2560x128xi32, #tpu.memory_space<hbm>> -> memref<72x128xi32, #tpu.memory_space<hbm>>
        tpu.wait_dma2 semaphore(%run_scoped3A : memref<!tpu.dma_semaphore, #tpu.memory_space<semaphore_mem>>) src(%dma_wait3A_50 : memref<72x128xi32, #tpu.memory_space<hbm>>) dst(%dma_wait3A_48 : memref<72x128xi32, #tpu.memory_space<vmem>>)
        tpu.yield
      }) : () -> ()
      %scan3A = arith.constant 0 : i32
      %scan3A_18 = arith.constant 0 : i32
      %scan3A_19 = arith.constant 72 : i32
      %scan3A_20 = arith.addi %scan3A_18, %scan3A_19 : i32
      %scan3A_21 = arith.constant 1 : i32
      scf.for %scan3A_33 = %scan3A_18 to %scan3A_20 step %scan3A_21  : i32 {
        "tpu.region"() ({
          %run_scoped3A = tpu.sem_alloc : memref<!tpu.dma_semaphore, #tpu.memory_space<semaphore_mem>>
          %dma_start3A = arith.constant 0 : i32
          %dma_start3A_34 = tpu.memref_slice %arg7[%scan3A_33, %dma_start3A] : memref<72x128xi32, #tpu.memory_space<vmem>> -> memref<1x128xi32, #tpu.memory_space<vmem>>
          %dma_start3A_35 = tpu.memref_squeeze %dma_start3A_34 : memref<1x128xi32, #tpu.memory_space<vmem>> -> memref<128xi32, #tpu.memory_space<vmem>>
          %dma_start3A_36 = arith.constant 0 : i32
          %dma_start3A_37 = arith.constant 0 : i32
          %dma_start3A_38 = tpu.memref_slice %arg2[%dma_start3A_36, %dma_start3A_37] : memref<10000x128xf32, #tpu.memory_space<hbm>> -> memref<10000x128xf32, #tpu.memory_space<hbm>>
          tpu.enqueue_indirect_dma source(%dma_start3A_38 : memref<10000x128xf32, #tpu.memory_space<hbm>>) target(%arg9 : memref<128x128xf32, #tpu.memory_space<vmem>>) offsets(%dma_start3A_35 : memref<128xi32, #tpu.memory_space<vmem>>) semaphore(%run_scoped3A : memref<!tpu.dma_semaphore, #tpu.memory_space<semaphore_mem>>)
          %dma_wait3A = arith.constant 0 : i32
          %dma_wait3A_39 = tpu.memref_slice %arg7[%scan3A_33, %dma_wait3A] : memref<72x128xi32, #tpu.memory_space<vmem>> -> memref<1x128xi32, #tpu.memory_space<vmem>>
          %dma_wait3A_40 = tpu.memref_squeeze %dma_wait3A_39 : memref<1x128xi32, #tpu.memory_space<vmem>> -> memref<128xi32, #tpu.memory_space<vmem>>
          %dma_wait3A_41 = arith.constant 0 : i32
          %dma_wait3A_42 = arith.constant 0 : i32
          %dma_wait3A_43 = tpu.memref_slice %arg2[%dma_wait3A_41, %dma_wait3A_42] : memref<10000x128xf32, #tpu.memory_space<hbm>> -> memref<10000x128xf32, #tpu.memory_space<hbm>>
          tpu.wait_indirect_dma semaphore(%run_scoped3A : memref<!tpu.dma_semaphore, #tpu.memory_space<semaphore_mem>>) src(%dma_wait3A_43 : memref<10000x128xf32, #tpu.memory_space<hbm>>) dst(%arg9 : memref<128x128xf32, #tpu.memory_space<vmem>>)
          tpu.yield
        }) : () -> ()
        "tpu.region"() ({
          %run_scoped3A = tpu.sem_alloc : memref<!tpu.dma_semaphore, #tpu.memory_space<semaphore_mem>>
          %dma_start3A = arith.constant 0 : i32
          %dma_start3A_34 = tpu.memref_slice %arg8[%scan3A_33, %dma_start3A] : memref<72x128xi32, #tpu.memory_space<vmem>> -> memref<1x128xi32, #tpu.memory_space<vmem>>
          %dma_start3A_35 = tpu.memref_squeeze %dma_start3A_34 : memref<1x128xi32, #tpu.memory_space<vmem>> -> memref<128xi32, #tpu.memory_space<vmem>>
          %dma_start3A_36 = arith.constant 0 : i32
          %dma_start3A_37 = arith.constant 0 : i32
          %dma_start3A_38 = tpu.memref_slice %arg10[%dma_start3A_36, %dma_start3A_37] : memref<10240x128xf32, #tpu.memory_space<vmem_shared>> -> memref<10240x128xf32, #tpu.memory_space<vmem_shared>>
          tpu.enqueue_indirect_dma source(%arg9 : memref<128x128xf32, #tpu.memory_space<vmem>>) target(%dma_start3A_38 : memref<10240x128xf32, #tpu.memory_space<vmem_shared>>) offsets(%dma_start3A_35 : memref<128xi32, #tpu.memory_space<vmem>>) semaphore(%run_scoped3A : memref<!tpu.dma_semaphore, #tpu.memory_space<semaphore_mem>>) {add = true}
          %dma_wait3A = arith.constant 0 : i32
          %dma_wait3A_39 = tpu.memref_slice %arg8[%scan3A_33, %dma_wait3A] : memref<72x128xi32, #tpu.memory_space<vmem>> -> memref<1x128xi32, #tpu.memory_space<vmem>>
          %dma_wait3A_40 = tpu.memref_squeeze %dma_wait3A_39 : memref<1x128xi32, #tpu.memory_space<vmem>> -> memref<128xi32, #tpu.memory_space<vmem>>
          %dma_wait3A_41 = arith.constant 0 : i32
          %dma_wait3A_42 = arith.constant 0 : i32
          %dma_wait3A_43 = tpu.memref_slice %arg10[%dma_wait3A_41, %dma_wait3A_42] : memref<10240x128xf32, #tpu.memory_space<vmem_shared>> -> memref<10240x128xf32, #tpu.memory_space<vmem_shared>>
          tpu.wait_indirect_dma semaphore(%run_scoped3A : memref<!tpu.dma_semaphore, #tpu.memory_space<semaphore_mem>>) src(%arg9 : memref<128x128xf32, #tpu.memory_space<vmem>>) dst(%dma_wait3A_43 : memref<10240x128xf32, #tpu.memory_space<vmem_shared>>)
          tpu.yield
        }) : () -> ()
      }
      %scan3A_22 = arith.constant 72 : i32
      %mul3A_23 = arith.constant 136 : i32
      %mul3A_24 = arith.muli %arg1, %mul3A_23 : i32
      %add3A_25 = arith.constant 72 : i32
      %add3A_26 = arith.addi %mul3A_24, %add3A_25 : i32
      "tpu.region"() ({
        %run_scoped3A = tpu.sem_alloc : memref<!tpu.dma_semaphore, #tpu.memory_space<semaphore_mem>>
        %dma_start3A = arith.constant 0 : i32
        %dma_start3A_33 = arith.constant 0 : i32
        %dma_start3A_34 = tpu.memref_slice %arg7[%dma_start3A, %dma_start3A_33] : memref<72x128xi32, #tpu.memory_space<vmem>> -> memref<64x128xi32, #tpu.memory_space<vmem>>
        %dma_start3A_35 = arith.constant 0 : i32
        %dma_start3A_36 = tpu.memref_slice %arg3[%add3A_26, %dma_start3A_35] : memref<2560x128xi32, #tpu.memory_space<hbm>> -> memref<64x128xi32, #tpu.memory_space<hbm>>
        %dma_start3A_37 = arith.constant 0 : i32
        %dma_start3A_38 = arith.constant 0 : i32
        %dma_start3A_39 = tpu.memref_slice %arg7[%dma_start3A_37, %dma_start3A_38] : memref<72x128xi32, #tpu.memory_space<vmem>> -> memref<64x128xi32, #tpu.memory_space<vmem>>
        %dma_start3A_40 = arith.constant 0 : i32
        %dma_start3A_41 = tpu.memref_slice %arg3[%add3A_26, %dma_start3A_40] : memref<2560x128xi32, #tpu.memory_space<hbm>> -> memref<64x128xi32, #tpu.memory_space<hbm>>
        tpu.enqueue_dma source(%dma_start3A_41 : memref<64x128xi32, #tpu.memory_space<hbm>>) target(%dma_start3A_39 : memref<64x128xi32, #tpu.memory_space<vmem>>) target_semaphore(%run_scoped3A : memref<!tpu.dma_semaphore, #tpu.memory_space<semaphore_mem>>)
        %dma_wait3A = arith.constant 0 : i32
        %dma_wait3A_42 = arith.constant 0 : i32
        %dma_wait3A_43 = tpu.memref_slice %arg7[%dma_wait3A, %dma_wait3A_42] : memref<72x128xi32, #tpu.memory_space<vmem>> -> memref<64x128xi32, #tpu.memory_space<vmem>>
        %dma_wait3A_44 = arith.constant 0 : i32
        %dma_wait3A_45 = tpu.memref_slice %arg3[%add3A_26, %dma_wait3A_44] : memref<2560x128xi32, #tpu.memory_space<hbm>> -> memref<64x128xi32, #tpu.memory_space<hbm>>
        %dma_wait3A_46 = arith.constant 0 : i32
        %dma_wait3A_47 = arith.constant 0 : i32
        %dma_wait3A_48 = tpu.memref_slice %arg7[%dma_wait3A_46, %dma_wait3A_47] : memref<72x128xi32, #tpu.memory_space<vmem>> -> memref<64x128xi32, #tpu.memory_space<vmem>>
        %dma_wait3A_49 = arith.constant 0 : i32
        %dma_wait3A_50 = tpu.memref_slice %arg3[%add3A_26, %dma_wait3A_49] : memref<2560x128xi32, #tpu.memory_space<hbm>> -> memref<64x128xi32, #tpu.memory_space<hbm>>
        tpu.wait_dma2 semaphore(%run_scoped3A : memref<!tpu.dma_semaphore, #tpu.memory_space<semaphore_mem>>) src(%dma_wait3A_50 : memref<64x128xi32, #tpu.memory_space<hbm>>) dst(%dma_wait3A_48 : memref<64x128xi32, #tpu.memory_space<vmem>>)
        tpu.yield
      }) : () -> ()
      "tpu.region"() ({
        %run_scoped3A = tpu.sem_alloc : memref<!tpu.dma_semaphore, #tpu.memory_space<semaphore_mem>>
        %dma_start3A = arith.constant 0 : i32
        %dma_start3A_33 = arith.constant 0 : i32
        %dma_start3A_34 = tpu.memref_slice %arg8[%dma_start3A, %dma_start3A_33] : memref<72x128xi32, #tpu.memory_space<vmem>> -> memref<64x128xi32, #tpu.memory_space<vmem>>
        %dma_start3A_35 = arith.constant 0 : i32
        %dma_start3A_36 = tpu.memref_slice %arg4[%add3A_26, %dma_start3A_35] : memref<2560x128xi32, #tpu.memory_space<hbm>> -> memref<64x128xi32, #tpu.memory_space<hbm>>
        %dma_start3A_37 = arith.constant 0 : i32
        %dma_start3A_38 = arith.constant 0 : i32
        %dma_start3A_39 = tpu.memref_slice %arg8[%dma_start3A_37, %dma_start3A_38] : memref<72x128xi32, #tpu.memory_space<vmem>> -> memref<64x128xi32, #tpu.memory_space<vmem>>
        %dma_start3A_40 = arith.constant 0 : i32
        %dma_start3A_41 = tpu.memref_slice %arg4[%add3A_26, %dma_start3A_40] : memref<2560x128xi32, #tpu.memory_space<hbm>> -> memref<64x128xi32, #tpu.memory_space<hbm>>
        tpu.enqueue_dma source(%dma_start3A_41 : memref<64x128xi32, #tpu.memory_space<hbm>>) target(%dma_start3A_39 : memref<64x128xi32, #tpu.memory_space<vmem>>) target_semaphore(%run_scoped3A : memref<!tpu.dma_semaphore, #tpu.memory_space<semaphore_mem>>)
        %dma_wait3A = arith.constant 0 : i32
        %dma_wait3A_42 = arith.constant 0 : i32
        %dma_wait3A_43 = tpu.memref_slice %arg8[%dma_wait3A, %dma_wait3A_42] : memref<72x128xi32, #tpu.memory_space<vmem>> -> memref<64x128xi32, #tpu.memory_space<vmem>>
        %dma_wait3A_44 = arith.constant 0 : i32
        %dma_wait3A_45 = tpu.memref_slice %arg4[%add3A_26, %dma_wait3A_44] : memref<2560x128xi32, #tpu.memory_space<hbm>> -> memref<64x128xi32, #tpu.memory_space<hbm>>
        %dma_wait3A_46 = arith.constant 0 : i32
        %dma_wait3A_47 = arith.constant 0 : i32
        %dma_wait3A_48 = tpu.memref_slice %arg8[%dma_wait3A_46, %dma_wait3A_47] : memref<72x128xi32, #tpu.memory_space<vmem>> -> memref<64x128xi32, #tpu.memory_space<vmem>>
        %dma_wait3A_49 = arith.constant 0 : i32
        %dma_wait3A_50 = tpu.memref_slice %arg4[%add3A_26, %dma_wait3A_49] : memref<2560x128xi32, #tpu.memory_space<hbm>> -> memref<64x128xi32, #tpu.memory_space<hbm>>
        tpu.wait_dma2 semaphore(%run_scoped3A : memref<!tpu.dma_semaphore, #tpu.memory_space<semaphore_mem>>) src(%dma_wait3A_50 : memref<64x128xi32, #tpu.memory_space<hbm>>) dst(%dma_wait3A_48 : memref<64x128xi32, #tpu.memory_space<vmem>>)
        tpu.yield
      }) : () -> ()
      %scan3A_27 = arith.constant 0 : i32
      %scan3A_28 = arith.constant 0 : i32
      %scan3A_29 = arith.constant 64 : i32
      %scan3A_30 = arith.addi %scan3A_28, %scan3A_29 : i32
      %scan3A_31 = arith.constant 1 : i32
      scf.for %scan3A_33 = %scan3A_28 to %scan3A_30 step %scan3A_31  : i32 {
        "tpu.region"() ({
          %run_scoped3A = tpu.sem_alloc : memref<!tpu.dma_semaphore, #tpu.memory_space<semaphore_mem>>
          %dma_start3A = arith.constant 0 : i32
          %dma_start3A_34 = tpu.memref_slice %arg7[%scan3A_33, %dma_start3A] : memref<72x128xi32, #tpu.memory_space<vmem>> -> memref<1x128xi32, #tpu.memory_space<vmem>>
          %dma_start3A_35 = tpu.memref_squeeze %dma_start3A_34 : memref<1x128xi32, #tpu.memory_space<vmem>> -> memref<128xi32, #tpu.memory_space<vmem>>
          %dma_start3A_36 = arith.constant 0 : i32
          %dma_start3A_37 = arith.constant 0 : i32
          %dma_start3A_38 = tpu.memref_slice %arg2[%dma_start3A_36, %dma_start3A_37] : memref<10000x128xf32, #tpu.memory_space<hbm>> -> memref<10000x128xf32, #tpu.memory_space<hbm>>
          tpu.enqueue_indirect_dma source(%dma_start3A_38 : memref<10000x128xf32, #tpu.memory_space<hbm>>) target(%arg9 : memref<128x128xf32, #tpu.memory_space<vmem>>) offsets(%dma_start3A_35 : memref<128xi32, #tpu.memory_space<vmem>>) semaphore(%run_scoped3A : memref<!tpu.dma_semaphore, #tpu.memory_space<semaphore_mem>>)
          %dma_wait3A = arith.constant 0 : i32
          %dma_wait3A_39 = tpu.memref_slice %arg7[%scan3A_33, %dma_wait3A] : memref<72x128xi32, #tpu.memory_space<vmem>> -> memref<1x128xi32, #tpu.memory_space<vmem>>
          %dma_wait3A_40 = tpu.memref_squeeze %dma_wait3A_39 : memref<1x128xi32, #tpu.memory_space<vmem>> -> memref<128xi32, #tpu.memory_space<vmem>>
          %dma_wait3A_41 = arith.constant 0 : i32
          %dma_wait3A_42 = arith.constant 0 : i32
          %dma_wait3A_43 = tpu.memref_slice %arg2[%dma_wait3A_41, %dma_wait3A_42] : memref<10000x128xf32, #tpu.memory_space<hbm>> -> memref<10000x128xf32, #tpu.memory_space<hbm>>
          tpu.wait_indirect_dma semaphore(%run_scoped3A : memref<!tpu.dma_semaphore, #tpu.memory_space<semaphore_mem>>) src(%dma_wait3A_43 : memref<10000x128xf32, #tpu.memory_space<hbm>>) dst(%arg9 : memref<128x128xf32, #tpu.memory_space<vmem>>)
          tpu.yield
        }) : () -> ()
        "tpu.region"() ({
          %run_scoped3A = tpu.sem_alloc : memref<!tpu.dma_semaphore, #tpu.memory_space<semaphore_mem>>
          %dma_start3A = arith.constant 0 : i32
          %dma_start3A_34 = tpu.memref_slice %arg8[%scan3A_33, %dma_start3A] : memref<72x128xi32, #tpu.memory_space<vmem>> -> memref<1x128xi32, #tpu.memory_space<vmem>>
          %dma_start3A_35 = tpu.memref_squeeze %dma_start3A_34 : memref<1x128xi32, #tpu.memory_space<vmem>> -> memref<128xi32, #tpu.memory_space<vmem>>
          %dma_start3A_36 = arith.constant 0 : i32
          %dma_start3A_37 = arith.constant 0 : i32
          %dma_start3A_38 = tpu.memref_slice %arg10[%dma_start3A_36, %dma_start3A_37] : memref<10240x128xf32, #tpu.memory_space<vmem_shared>> -> memref<10240x128xf32, #tpu.memory_space<vmem_shared>>
          tpu.enqueue_indirect_dma source(%arg9 : memref<128x128xf32, #tpu.memory_space<vmem>>) target(%dma_start3A_38 : memref<10240x128xf32, #tpu.memory_space<vmem_shared>>) offsets(%dma_start3A_35 : memref<128xi32, #tpu.memory_space<vmem>>) semaphore(%run_scoped3A : memref<!tpu.dma_semaphore, #tpu.memory_space<semaphore_mem>>) {add = true}
          %dma_wait3A = arith.constant 0 : i32
          %dma_wait3A_39 = tpu.memref_slice %arg8[%scan3A_33, %dma_wait3A] : memref<72x128xi32, #tpu.memory_space<vmem>> -> memref<1x128xi32, #tpu.memory_space<vmem>>
          %dma_wait3A_40 = tpu.memref_squeeze %dma_wait3A_39 : memref<1x128xi32, #tpu.memory_space<vmem>> -> memref<128xi32, #tpu.memory_space<vmem>>
          %dma_wait3A_41 = arith.constant 0 : i32
          %dma_wait3A_42 = arith.constant 0 : i32
          %dma_wait3A_43 = tpu.memref_slice %arg10[%dma_wait3A_41, %dma_wait3A_42] : memref<10240x128xf32, #tpu.memory_space<vmem_shared>> -> memref<10240x128xf32, #tpu.memory_space<vmem_shared>>
          tpu.wait_indirect_dma semaphore(%run_scoped3A : memref<!tpu.dma_semaphore, #tpu.memory_space<semaphore_mem>>) src(%arg9 : memref<128x128xf32, #tpu.memory_space<vmem>>) dst(%dma_wait3A_43 : memref<10240x128xf32, #tpu.memory_space<vmem_shared>>)
          tpu.yield
        }) : () -> ()
      }
      %scan3A_32 = arith.constant 64 : i32
    } else {
    }
    %eq3A_5 = arith.constant 1 : i32
    %eq3A_6 = arith.cmpi eq, %arg0, %eq3A_5 : i32
    %convert_element_type3A_7 = arith.extui %eq3A_6 : i1 to i32
    %cond3A_8 = arith.constant 0 : i32
    %cond3A_9 = arith.cmpi ne, %convert_element_type3A_7, %cond3A_8 : i32
    scf.if %cond3A_9 {
      %mul3A_16 = arith.constant 24 : i32
      %mul3A_17 = arith.muli %arg1, %mul3A_16 : i32
      %add3A_18 = arith.constant 2176 : i32
      %add3A_19 = arith.addi %add3A_18, %mul3A_17 : i32
      "tpu.region"() ({
        %run_scoped3A = tpu.sem_alloc : memref<!tpu.dma_semaphore, #tpu.memory_space<semaphore_mem>>
        %dma_start3A = arith.constant 0 : i32
        %dma_start3A_25 = arith.constant 0 : i32
        %dma_start3A_26 = tpu.memref_slice %arg7[%dma_start3A, %dma_start3A_25] : memref<72x128xi32, #tpu.memory_space<vmem>> -> memref<24x128xi32, #tpu.memory_space<vmem>>
        %dma_start3A_27 = arith.constant 0 : i32
        %dma_start3A_28 = tpu.memref_slice %arg3[%add3A_19, %dma_start3A_27] : memref<2560x128xi32, #tpu.memory_space<hbm>> -> memref<24x128xi32, #tpu.memory_space<hbm>>
        %dma_start3A_29 = arith.constant 0 : i32
        %dma_start3A_30 = arith.constant 0 : i32
        %dma_start3A_31 = tpu.memref_slice %arg7[%dma_start3A_29, %dma_start3A_30] : memref<72x128xi32, #tpu.memory_space<vmem>> -> memref<24x128xi32, #tpu.memory_space<vmem>>
        %dma_start3A_32 = arith.constant 0 : i32
        %dma_start3A_33 = tpu.memref_slice %arg3[%add3A_19, %dma_start3A_32] : memref<2560x128xi32, #tpu.memory_space<hbm>> -> memref<24x128xi32, #tpu.memory_space<hbm>>
        tpu.enqueue_dma source(%dma_start3A_33 : memref<24x128xi32, #tpu.memory_space<hbm>>) target(%dma_start3A_31 : memref<24x128xi32, #tpu.memory_space<vmem>>) target_semaphore(%run_scoped3A : memref<!tpu.dma_semaphore, #tpu.memory_space<semaphore_mem>>)
        %dma_wait3A = arith.constant 0 : i32
        %dma_wait3A_34 = arith.constant 0 : i32
        %dma_wait3A_35 = tpu.memref_slice %arg7[%dma_wait3A, %dma_wait3A_34] : memref<72x128xi32, #tpu.memory_space<vmem>> -> memref<24x128xi32, #tpu.memory_space<vmem>>
        %dma_wait3A_36 = arith.constant 0 : i32
        %dma_wait3A_37 = tpu.memref_slice %arg3[%add3A_19, %dma_wait3A_36] : memref<2560x128xi32, #tpu.memory_space<hbm>> -> memref<24x128xi32, #tpu.memory_space<hbm>>
        %dma_wait3A_38 = arith.constant 0 : i32
        %dma_wait3A_39 = arith.constant 0 : i32
        %dma_wait3A_40 = tpu.memref_slice %arg7[%dma_wait3A_38, %dma_wait3A_39] : memref<72x128xi32, #tpu.memory_space<vmem>> -> memref<24x128xi32, #tpu.memory_space<vmem>>
        %dma_wait3A_41 = arith.constant 0 : i32
        %dma_wait3A_42 = tpu.memref_slice %arg3[%add3A_19, %dma_wait3A_41] : memref<2560x128xi32, #tpu.memory_space<hbm>> -> memref<24x128xi32, #tpu.memory_space<hbm>>
        tpu.wait_dma2 semaphore(%run_scoped3A : memref<!tpu.dma_semaphore, #tpu.memory_space<semaphore_mem>>) src(%dma_wait3A_42 : memref<24x128xi32, #tpu.memory_space<hbm>>) dst(%dma_wait3A_40 : memref<24x128xi32, #tpu.memory_space<vmem>>)
        tpu.yield
      }) : () -> ()
      "tpu.region"() ({
        %run_scoped3A = tpu.sem_alloc : memref<!tpu.dma_semaphore, #tpu.memory_space<semaphore_mem>>
        %dma_start3A = arith.constant 0 : i32
        %dma_start3A_25 = arith.constant 0 : i32
        %dma_start3A_26 = tpu.memref_slice %arg8[%dma_start3A, %dma_start3A_25] : memref<72x128xi32, #tpu.memory_space<vmem>> -> memref<24x128xi32, #tpu.memory_space<vmem>>
        %dma_start3A_27 = arith.constant 0 : i32
        %dma_start3A_28 = tpu.memref_slice %arg4[%add3A_19, %dma_start3A_27] : memref<2560x128xi32, #tpu.memory_space<hbm>> -> memref<24x128xi32, #tpu.memory_space<hbm>>
        %dma_start3A_29 = arith.constant 0 : i32
        %dma_start3A_30 = arith.constant 0 : i32
        %dma_start3A_31 = tpu.memref_slice %arg8[%dma_start3A_29, %dma_start3A_30] : memref<72x128xi32, #tpu.memory_space<vmem>> -> memref<24x128xi32, #tpu.memory_space<vmem>>
        %dma_start3A_32 = arith.constant 0 : i32
        %dma_start3A_33 = tpu.memref_slice %arg4[%add3A_19, %dma_start3A_32] : memref<2560x128xi32, #tpu.memory_space<hbm>> -> memref<24x128xi32, #tpu.memory_space<hbm>>
        tpu.enqueue_dma source(%dma_start3A_33 : memref<24x128xi32, #tpu.memory_space<hbm>>) target(%dma_start3A_31 : memref<24x128xi32, #tpu.memory_space<vmem>>) target_semaphore(%run_scoped3A : memref<!tpu.dma_semaphore, #tpu.memory_space<semaphore_mem>>)
        %dma_wait3A = arith.constant 0 : i32
        %dma_wait3A_34 = arith.constant 0 : i32
        %dma_wait3A_35 = tpu.memref_slice %arg8[%dma_wait3A, %dma_wait3A_34] : memref<72x128xi32, #tpu.memory_space<vmem>> -> memref<24x128xi32, #tpu.memory_space<vmem>>
        %dma_wait3A_36 = arith.constant 0 : i32
        %dma_wait3A_37 = tpu.memref_slice %arg4[%add3A_19, %dma_wait3A_36] : memref<2560x128xi32, #tpu.memory_space<hbm>> -> memref<24x128xi32, #tpu.memory_space<hbm>>
        %dma_wait3A_38 = arith.constant 0 : i32
        %dma_wait3A_39 = arith.constant 0 : i32
        %dma_wait3A_40 = tpu.memref_slice %arg8[%dma_wait3A_38, %dma_wait3A_39] : memref<72x128xi32, #tpu.memory_space<vmem>> -> memref<24x128xi32, #tpu.memory_space<vmem>>
        %dma_wait3A_41 = arith.constant 0 : i32
        %dma_wait3A_42 = tpu.memref_slice %arg4[%add3A_19, %dma_wait3A_41] : memref<2560x128xi32, #tpu.memory_space<hbm>> -> memref<24x128xi32, #tpu.memory_space<hbm>>
        tpu.wait_dma2 semaphore(%run_scoped3A : memref<!tpu.dma_semaphore, #tpu.memory_space<semaphore_mem>>) src(%dma_wait3A_42 : memref<24x128xi32, #tpu.memory_space<hbm>>) dst(%dma_wait3A_40 : memref<24x128xi32, #tpu.memory_space<vmem>>)
        tpu.yield
      }) : () -> ()
      %scan3A = arith.constant 0 : i32
      %scan3A_20 = arith.constant 0 : i32
      %scan3A_21 = arith.constant 24 : i32
      %scan3A_22 = arith.addi %scan3A_20, %scan3A_21 : i32
      %scan3A_23 = arith.constant 1 : i32
      scf.for %scan3A_25 = %scan3A_20 to %scan3A_22 step %scan3A_23  : i32 {
        "tpu.region"() ({
          %run_scoped3A = tpu.sem_alloc : memref<!tpu.dma_semaphore, #tpu.memory_space<semaphore_mem>>
          %dma_start3A = arith.constant 0 : i32
          %dma_start3A_26 = tpu.memref_slice %arg7[%scan3A_25, %dma_start3A] : memref<72x128xi32, #tpu.memory_space<vmem>> -> memref<1x128xi32, #tpu.memory_space<vmem>>
          %dma_start3A_27 = tpu.memref_squeeze %dma_start3A_26 : memref<1x128xi32, #tpu.memory_space<vmem>> -> memref<128xi32, #tpu.memory_space<vmem>>
          %dma_start3A_28 = arith.constant 0 : i32
          %dma_start3A_29 = arith.constant 0 : i32
          %dma_start3A_30 = tpu.memref_slice %arg2[%dma_start3A_28, %dma_start3A_29] : memref<10000x128xf32, #tpu.memory_space<hbm>> -> memref<10000x128xf32, #tpu.memory_space<hbm>>
          tpu.enqueue_indirect_dma source(%dma_start3A_30 : memref<10000x128xf32, #tpu.memory_space<hbm>>) target(%arg9 : memref<128x128xf32, #tpu.memory_space<vmem>>) offsets(%dma_start3A_27 : memref<128xi32, #tpu.memory_space<vmem>>) semaphore(%run_scoped3A : memref<!tpu.dma_semaphore, #tpu.memory_space<semaphore_mem>>)
          %dma_wait3A = arith.constant 0 : i32
          %dma_wait3A_31 = tpu.memref_slice %arg7[%scan3A_25, %dma_wait3A] : memref<72x128xi32, #tpu.memory_space<vmem>> -> memref<1x128xi32, #tpu.memory_space<vmem>>
          %dma_wait3A_32 = tpu.memref_squeeze %dma_wait3A_31 : memref<1x128xi32, #tpu.memory_space<vmem>> -> memref<128xi32, #tpu.memory_space<vmem>>
          %dma_wait3A_33 = arith.constant 0 : i32
          %dma_wait3A_34 = arith.constant 0 : i32
          %dma_wait3A_35 = tpu.memref_slice %arg2[%dma_wait3A_33, %dma_wait3A_34] : memref<10000x128xf32, #tpu.memory_space<hbm>> -> memref<10000x128xf32, #tpu.memory_space<hbm>>
          tpu.wait_indirect_dma semaphore(%run_scoped3A : memref<!tpu.dma_semaphore, #tpu.memory_space<semaphore_mem>>) src(%dma_wait3A_35 : memref<10000x128xf32, #tpu.memory_space<hbm>>) dst(%arg9 : memref<128x128xf32, #tpu.memory_space<vmem>>)
          tpu.yield
        }) : () -> ()
        "tpu.region"() ({
          %run_scoped3A = tpu.sem_alloc : memref<!tpu.dma_semaphore, #tpu.memory_space<semaphore_mem>>
          %dma_start3A = arith.constant 0 : i32
          %dma_start3A_26 = tpu.memref_slice %arg8[%scan3A_25, %dma_start3A] : memref<72x128xi32, #tpu.memory_space<vmem>> -> memref<1x128xi32, #tpu.memory_space<vmem>>
          %dma_start3A_27 = tpu.memref_squeeze %dma_start3A_26 : memref<1x128xi32, #tpu.memory_space<vmem>> -> memref<128xi32, #tpu.memory_space<vmem>>
          %dma_start3A_28 = arith.constant 0 : i32
          %dma_start3A_29 = arith.constant 0 : i32
          %dma_start3A_30 = tpu.memref_slice %arg10[%dma_start3A_28, %dma_start3A_29] : memref<10240x128xf32, #tpu.memory_space<vmem_shared>> -> memref<10240x128xf32, #tpu.memory_space<vmem_shared>>
          tpu.enqueue_indirect_dma source(%arg9 : memref<128x128xf32, #tpu.memory_space<vmem>>) target(%dma_start3A_30 : memref<10240x128xf32, #tpu.memory_space<vmem_shared>>) offsets(%dma_start3A_27 : memref<128xi32, #tpu.memory_space<vmem>>) semaphore(%run_scoped3A : memref<!tpu.dma_semaphore, #tpu.memory_space<semaphore_mem>>) {add = true}
          %dma_wait3A = arith.constant 0 : i32
          %dma_wait3A_31 = tpu.memref_slice %arg8[%scan3A_25, %dma_wait3A] : memref<72x128xi32, #tpu.memory_space<vmem>> -> memref<1x128xi32, #tpu.memory_space<vmem>>
          %dma_wait3A_32 = tpu.memref_squeeze %dma_wait3A_31 : memref<1x128xi32, #tpu.memory_space<vmem>> -> memref<128xi32, #tpu.memory_space<vmem>>
          %dma_wait3A_33 = arith.constant 0 : i32
          %dma_wait3A_34 = arith.constant 0 : i32
          %dma_wait3A_35 = tpu.memref_slice %arg10[%dma_wait3A_33, %dma_wait3A_34] : memref<10240x128xf32, #tpu.memory_space<vmem_shared>> -> memref<10240x128xf32, #tpu.memory_space<vmem_shared>>
          tpu.wait_indirect_dma semaphore(%run_scoped3A : memref<!tpu.dma_semaphore, #tpu.memory_space<semaphore_mem>>) src(%arg9 : memref<128x128xf32, #tpu.memory_space<vmem>>) dst(%dma_wait3A_35 : memref<10240x128xf32, #tpu.memory_space<vmem_shared>>)
          tpu.yield
        }) : () -> ()
      }
      %scan3A_24 = arith.constant 24 : i32
    } else {
    }
    %barrier3A = arith.constant 0 : index
    tpu.barrier barrier_id(%barrier3A)
    %mul3A_10 = arith.constant 640 : i32
    %mul3A_11 = arith.muli %arg1, %mul3A_10 : i32
    %mul3A_12 = arith.constant 10240 : i32
    %mul3A_13 = arith.muli %arg0, %mul3A_12 : i32
    %mul3A_14 = arith.constant 640 : i32
    %mul3A_15 = arith.muli %arg1, %mul3A_14 : i32
    %add3A = arith.addi %mul3A_13, %mul3A_15 : i32
    "tpu.region"() ({
      %run_scoped3A = tpu.sem_alloc : memref<!tpu.dma_semaphore, #tpu.memory_space<semaphore_mem>>
      %dma_start3A = arith.constant 0 : i32
      %dma_start3A_16 = tpu.memref_slice %arg6[%add3A, %dma_start3A] : memref<20480x128xf32, #tpu.memory_space<hbm>> -> memref<640x128xf32, #tpu.memory_space<hbm>>
      %dma_start3A_17 = arith.constant 0 : i32
      %dma_start3A_18 = tpu.memref_slice %arg10[%mul3A_11, %dma_start3A_17] : memref<10240x128xf32, #tpu.memory_space<vmem_shared>> -> memref<640x128xf32, #tpu.memory_space<vmem_shared>>
      tpu.enqueue_dma source(%dma_start3A_18 : memref<640x128xf32, #tpu.memory_space<vmem_shared>>) target(%dma_start3A_16 : memref<640x128xf32, #tpu.memory_space<hbm>>) target_semaphore(%run_scoped3A : memref<!tpu.dma_semaphore, #tpu.memory_space<semaphore_mem>>)
      %dma_wait3A = arith.constant 0 : i32
      %dma_wait3A_19 = tpu.memref_slice %arg6[%add3A, %dma_wait3A] : memref<20480x128xf32, #tpu.memory_space<hbm>> -> memref<640x128xf32, #tpu.memory_space<hbm>>
      %dma_wait3A_20 = arith.constant 0 : i32
      %dma_wait3A_21 = tpu.memref_slice %arg10[%mul3A_11, %dma_wait3A_20] : memref<10240x128xf32, #tpu.memory_space<vmem_shared>> -> memref<640x128xf32, #tpu.memory_space<vmem_shared>>
      tpu.wait_dma2 semaphore(%run_scoped3A : memref<!tpu.dma_semaphore, #tpu.memory_space<semaphore_mem>>) src(%dma_wait3A_21 : memref<640x128xf32, #tpu.memory_space<vmem_shared>>) dst(%dma_wait3A_19 : memref<640x128xf32, #tpu.memory_space<hbm>>)
      tpu.yield
    }) : () -> ()
    return
  }
}

#map = affine_map<(d0, d1) -> (0, 0)>
module attributes {stable_mosaic.version = 14 : i64} {
  func.func @_gather_scatter_kernel(%arg0: i32, %arg1: i32, %arg2: memref<10000x128xf32, #tpu.memory_space<hbm>>, %arg3: memref<2560x128xi32, #tpu.memory_space<hbm>>, %arg4: memref<2560x128xi32, #tpu.memory_space<hbm>>, %arg5: memref<10240x128xf32, #tpu.memory_space<hbm>>, %arg6: memref<20480x128xf32, #tpu.memory_space<hbm>>, %arg7: memref<72x128xi32, #tpu.memory_space<vmem>>, %arg8: memref<72x128xi32, #tpu.memory_space<vmem>>, %arg9: memref<128x128xf32, #tpu.memory_space<vmem>>, %arg10: memref<10240x128xf32, #tpu.memory_space<vmem_shared>>) attributes {dimension_semantics = [#tpu.dimension_semantics<core_parallel>, #tpu.dimension_semantics<subcore_parallel>], iteration_bounds = array<i64: 2, 16>, scalar_prefetch = 0 : i64, scratch_operands = 4 : i64, tpu.core_type = #tpu.core_type<sc_vector_subcore>, window_params = [{transform_indices = #map}, {transform_indices = #map}, {transform_indices = #map}, {transform_indices = #map}, {transform_indices = #map}]} {
    %mul3A = arith.constant 640 : i32
    %mul3A_0 = arith.muli %arg1, %mul3A : i32
    %mul3A_1 = arith.constant 640 : i32
    %mul3A_2 = arith.muli %arg1, %mul3A_1 : i32
    "tpu.region"() ({
      %run_scoped3A = tpu.sem_alloc : memref<!tpu.dma_semaphore, #tpu.memory_space<semaphore_mem>>
      %dma_start3A = arith.constant 0 : i32
      %dma_start3A_16 = tpu.memref_slice %arg10[%mul3A_2, %dma_start3A] : memref<10240x128xf32, #tpu.memory_space<vmem_shared>> -> memref<640x128xf32, #tpu.memory_space<vmem_shared>>
      %dma_start3A_17 = arith.constant 0 : i32
      %dma_start3A_18 = tpu.memref_slice %arg5[%mul3A_0, %dma_start3A_17] : memref<10240x128xf32, #tpu.memory_space<hbm>> -> memref<640x128xf32, #tpu.memory_space<hbm>>
      tpu.enqueue_dma source(%dma_start3A_18 : memref<640x128xf32, #tpu.memory_space<hbm>>) target(%dma_start3A_16 : memref<640x128xf32, #tpu.memory_space<vmem_shared>>) target_semaphore(%run_scoped3A : memref<!tpu.dma_semaphore, #tpu.memory_space<semaphore_mem>>)
      %dma_wait3A = arith.constant 0 : i32
      %dma_wait3A_19 = tpu.memref_slice %arg10[%mul3A_2, %dma_wait3A] : memref<10240x128xf32, #tpu.memory_space<vmem_shared>> -> memref<640x128xf32, #tpu.memory_space<vmem_shared>>
      %dma_wait3A_20 = arith.constant 0 : i32
      %dma_wait3A_21 = tpu.memref_slice %arg5[%mul3A_0, %dma_wait3A_20] : memref<10240x128xf32, #tpu.memory_space<hbm>> -> memref<640x128xf32, #tpu.memory_space<hbm>>
      tpu.wait_dma2 semaphore(%run_scoped3A : memref<!tpu.dma_semaphore, #tpu.memory_space<semaphore_mem>>) src(%dma_wait3A_21 : memref<640x128xf32, #tpu.memory_space<hbm>>) dst(%dma_wait3A_19 : memref<640x128xf32, #tpu.memory_space<vmem_shared>>)
      tpu.yield
    }) : () -> ()
    %eq3A = arith.constant 0 : i32
    %eq3A_3 = arith.cmpi eq, %arg0, %eq3A : i32
    %convert_element_type3A = arith.extui %eq3A_3 : i1 to i32
    %cond3A = arith.constant 0 : i32
    %cond3A_4 = arith.cmpi ne, %convert_element_type3A, %cond3A : i32
    scf.if %cond3A_4 {
      %mul3A_16 = arith.constant 136 : i32
      %mul3A_17 = arith.muli %arg1, %mul3A_16 : i32
      "tpu.region"() ({
        %run_scoped3A = tpu.sem_alloc : memref<!tpu.dma_semaphore, #tpu.memory_space<semaphore_mem>>
        %dma_start3A = arith.constant 0 : i32
        %dma_start3A_33 = arith.constant 0 : i32
        %dma_start3A_34 = tpu.memref_slice %arg7[%dma_start3A, %dma_start3A_33] : memref<72x128xi32, #tpu.memory_space<vmem>> -> memref<72x128xi32, #tpu.memory_space<vmem>>
        %dma_start3A_35 = arith.constant 0 : i32
        %dma_start3A_36 = tpu.memref_slice %arg3[%mul3A_17, %dma_start3A_35] : memref<2560x128xi32, #tpu.memory_space<hbm>> -> memref<72x128xi32, #tpu.memory_space<hbm>>
        %dma_start3A_37 = arith.constant 0 : i32
        %dma_start3A_38 = arith.constant 0 : i32
        %dma_start3A_39 = tpu.memref_slice %arg7[%dma_start3A_37, %dma_start3A_38] : memref<72x128xi32, #tpu.memory_space<vmem>> -> memref<72x128xi32, #tpu.memory_space<vmem>>
        %dma_start3A_40 = arith.constant 0 : i32
        %dma_start3A_41 = tpu.memref_slice %arg3[%mul3A_17, %dma_start3A_40] : memref<2560x128xi32, #tpu.memory_space<hbm>> -> memref<72x128xi32, #tpu.memory_space<hbm>>
        tpu.enqueue_dma source(%dma_start3A_41 : memref<72x128xi32, #tpu.memory_space<hbm>>) target(%dma_start3A_39 : memref<72x128xi32, #tpu.memory_space<vmem>>) target_semaphore(%run_scoped3A : memref<!tpu.dma_semaphore, #tpu.memory_space<semaphore_mem>>)
        %dma_wait3A = arith.constant 0 : i32
        %dma_wait3A_42 = arith.constant 0 : i32
        %dma_wait3A_43 = tpu.memref_slice %arg7[%dma_wait3A, %dma_wait3A_42] : memref<72x128xi32, #tpu.memory_space<vmem>> -> memref<72x128xi32, #tpu.memory_space<vmem>>
        %dma_wait3A_44 = arith.constant 0 : i32
        %dma_wait3A_45 = tpu.memref_slice %arg3[%mul3A_17, %dma_wait3A_44] : memref<2560x128xi32, #tpu.memory_space<hbm>> -> memref<72x128xi32, #tpu.memory_space<hbm>>
        %dma_wait3A_46 = arith.constant 0 : i32
        %dma_wait3A_47 = arith.constant 0 : i32
        %dma_wait3A_48 = tpu.memref_slice %arg7[%dma_wait3A_46, %dma_wait3A_47] : memref<72x128xi32, #tpu.memory_space<vmem>> -> memref<72x128xi32, #tpu.memory_space<vmem>>
        %dma_wait3A_49 = arith.constant 0 : i32
        %dma_wait3A_50 = tpu.memref_slice %arg3[%mul3A_17, %dma_wait3A_49] : memref<2560x128xi32, #tpu.memory_space<hbm>> -> memref<72x128xi32, #tpu.memory_space<hbm>>
        tpu.wait_dma2 semaphore(%run_scoped3A : memref<!tpu.dma_semaphore, #tpu.memory_space<semaphore_mem>>) src(%dma_wait3A_50 : memref<72x128xi32, #tpu.memory_space<hbm>>) dst(%dma_wait3A_48 : memref<72x128xi32, #tpu.memory_space<vmem>>)
        tpu.yield
      }) : () -> ()
      "tpu.region"() ({
        %run_scoped3A = tpu.sem_alloc : memref<!tpu.dma_semaphore, #tpu.memory_space<semaphore_mem>>
        %dma_start3A = arith.constant 0 : i32
        %dma_start3A_33 = arith.constant 0 : i32
        %dma_start3A_34 = tpu.memref_slice %arg8[%dma_start3A, %dma_start3A_33] : memref<72x128xi32, #tpu.memory_space<vmem>> -> memref<72x128xi32, #tpu.memory_space<vmem>>
        %dma_start3A_35 = arith.constant 0 : i32
        %dma_start3A_36 = tpu.memref_slice %arg4[%mul3A_17, %dma_start3A_35] : memref<2560x128xi32, #tpu.memory_space<hbm>> -> memref<72x128xi32, #tpu.memory_space<hbm>>
        %dma_start3A_37 = arith.constant 0 : i32
        %dma_start3A_38 = arith.constant 0 : i32
        %dma_start3A_39 = tpu.memref_slice %arg8[%dma_start3A_37, %dma_start3A_38] : memref<72x128xi32, #tpu.memory_space<vmem>> -> memref<72x128xi32, #tpu.memory_space<vmem>>
        %dma_start3A_40 = arith.constant 0 : i32
        %dma_start3A_41 = tpu.memref_slice %arg4[%mul3A_17, %dma_start3A_40] : memref<2560x128xi32, #tpu.memory_space<hbm>> -> memref<72x128xi32, #tpu.memory_space<hbm>>
        tpu.enqueue_dma source(%dma_start3A_41 : memref<72x128xi32, #tpu.memory_space<hbm>>) target(%dma_start3A_39 : memref<72x128xi32, #tpu.memory_space<vmem>>) target_semaphore(%run_scoped3A : memref<!tpu.dma_semaphore, #tpu.memory_space<semaphore_mem>>)
        %dma_wait3A = arith.constant 0 : i32
        %dma_wait3A_42 = arith.constant 0 : i32
        %dma_wait3A_43 = tpu.memref_slice %arg8[%dma_wait3A, %dma_wait3A_42] : memref<72x128xi32, #tpu.memory_space<vmem>> -> memref<72x128xi32, #tpu.memory_space<vmem>>
        %dma_wait3A_44 = arith.constant 0 : i32
        %dma_wait3A_45 = tpu.memref_slice %arg4[%mul3A_17, %dma_wait3A_44] : memref<2560x128xi32, #tpu.memory_space<hbm>> -> memref<72x128xi32, #tpu.memory_space<hbm>>
        %dma_wait3A_46 = arith.constant 0 : i32
        %dma_wait3A_47 = arith.constant 0 : i32
        %dma_wait3A_48 = tpu.memref_slice %arg8[%dma_wait3A_46, %dma_wait3A_47] : memref<72x128xi32, #tpu.memory_space<vmem>> -> memref<72x128xi32, #tpu.memory_space<vmem>>
        %dma_wait3A_49 = arith.constant 0 : i32
        %dma_wait3A_50 = tpu.memref_slice %arg4[%mul3A_17, %dma_wait3A_49] : memref<2560x128xi32, #tpu.memory_space<hbm>> -> memref<72x128xi32, #tpu.memory_space<hbm>>
        tpu.wait_dma2 semaphore(%run_scoped3A : memref<!tpu.dma_semaphore, #tpu.memory_space<semaphore_mem>>) src(%dma_wait3A_50 : memref<72x128xi32, #tpu.memory_space<hbm>>) dst(%dma_wait3A_48 : memref<72x128xi32, #tpu.memory_space<vmem>>)
        tpu.yield
      }) : () -> ()
      %scan3A = arith.constant 0 : i32
      %scan3A_18 = arith.constant 0 : i32
      %scan3A_19 = arith.constant 72 : i32
      %scan3A_20 = arith.addi %scan3A_18, %scan3A_19 : i32
      %scan3A_21 = arith.constant 1 : i32
      scf.for %scan3A_33 = %scan3A_18 to %scan3A_20 step %scan3A_21  : i32 {
        "tpu.region"() ({
          %run_scoped3A = tpu.sem_alloc : memref<!tpu.dma_semaphore, #tpu.memory_space<semaphore_mem>>
          %dma_start3A = arith.constant 0 : i32
          %dma_start3A_34 = tpu.memref_slice %arg7[%scan3A_33, %dma_start3A] : memref<72x128xi32, #tpu.memory_space<vmem>> -> memref<1x128xi32, #tpu.memory_space<vmem>>
          %dma_start3A_35 = tpu.memref_squeeze %dma_start3A_34 : memref<1x128xi32, #tpu.memory_space<vmem>> -> memref<128xi32, #tpu.memory_space<vmem>>
          %dma_start3A_36 = arith.constant 0 : i32
          %dma_start3A_37 = arith.constant 0 : i32
          %dma_start3A_38 = tpu.memref_slice %arg2[%dma_start3A_36, %dma_start3A_37] : memref<10000x128xf32, #tpu.memory_space<hbm>> -> memref<10000x128xf32, #tpu.memory_space<hbm>>
          tpu.enqueue_indirect_dma source(%dma_start3A_38 : memref<10000x128xf32, #tpu.memory_space<hbm>>) target(%arg9 : memref<128x128xf32, #tpu.memory_space<vmem>>) offsets(%dma_start3A_35 : memref<128xi32, #tpu.memory_space<vmem>>) semaphore(%run_scoped3A : memref<!tpu.dma_semaphore, #tpu.memory_space<semaphore_mem>>)
          %dma_wait3A = arith.constant 0 : i32
          %dma_wait3A_39 = tpu.memref_slice %arg7[%scan3A_33, %dma_wait3A] : memref<72x128xi32, #tpu.memory_space<vmem>> -> memref<1x128xi32, #tpu.memory_space<vmem>>
          %dma_wait3A_40 = tpu.memref_squeeze %dma_wait3A_39 : memref<1x128xi32, #tpu.memory_space<vmem>> -> memref<128xi32, #tpu.memory_space<vmem>>
          %dma_wait3A_41 = arith.constant 0 : i32
          %dma_wait3A_42 = arith.constant 0 : i32
          %dma_wait3A_43 = tpu.memref_slice %arg2[%dma_wait3A_41, %dma_wait3A_42] : memref<10000x128xf32, #tpu.memory_space<hbm>> -> memref<10000x128xf32, #tpu.memory_space<hbm>>
          tpu.wait_indirect_dma semaphore(%run_scoped3A : memref<!tpu.dma_semaphore, #tpu.memory_space<semaphore_mem>>) src(%dma_wait3A_43 : memref<10000x128xf32, #tpu.memory_space<hbm>>) dst(%arg9 : memref<128x128xf32, #tpu.memory_space<vmem>>)
          tpu.yield
        }) : () -> ()
        "tpu.region"() ({
          %run_scoped3A = tpu.sem_alloc : memref<!tpu.dma_semaphore, #tpu.memory_space<semaphore_mem>>
          %dma_start3A = arith.constant 0 : i32
          %dma_start3A_34 = tpu.memref_slice %arg8[%scan3A_33, %dma_start3A] : memref<72x128xi32, #tpu.memory_space<vmem>> -> memref<1x128xi32, #tpu.memory_space<vmem>>
          %dma_start3A_35 = tpu.memref_squeeze %dma_start3A_34 : memref<1x128xi32, #tpu.memory_space<vmem>> -> memref<128xi32, #tpu.memory_space<vmem>>
          %dma_start3A_36 = arith.constant 0 : i32
          %dma_start3A_37 = arith.constant 0 : i32
          %dma_start3A_38 = tpu.memref_slice %arg10[%dma_start3A_36, %dma_start3A_37] : memref<10240x128xf32, #tpu.memory_space<vmem_shared>> -> memref<10240x128xf32, #tpu.memory_space<vmem_shared>>
          tpu.enqueue_indirect_dma source(%arg9 : memref<128x128xf32, #tpu.memory_space<vmem>>) target(%dma_start3A_38 : memref<10240x128xf32, #tpu.memory_space<vmem_shared>>) offsets(%dma_start3A_35 : memref<128xi32, #tpu.memory_space<vmem>>) semaphore(%run_scoped3A : memref<!tpu.dma_semaphore, #tpu.memory_space<semaphore_mem>>) {add = true}
          %dma_wait3A = arith.constant 0 : i32
          %dma_wait3A_39 = tpu.memref_slice %arg8[%scan3A_33, %dma_wait3A] : memref<72x128xi32, #tpu.memory_space<vmem>> -> memref<1x128xi32, #tpu.memory_space<vmem>>
          %dma_wait3A_40 = tpu.memref_squeeze %dma_wait3A_39 : memref<1x128xi32, #tpu.memory_space<vmem>> -> memref<128xi32, #tpu.memory_space<vmem>>
          %dma_wait3A_41 = arith.constant 0 : i32
          %dma_wait3A_42 = arith.constant 0 : i32
          %dma_wait3A_43 = tpu.memref_slice %arg10[%dma_wait3A_41, %dma_wait3A_42] : memref<10240x128xf32, #tpu.memory_space<vmem_shared>> -> memref<10240x128xf32, #tpu.memory_space<vmem_shared>>
          tpu.wait_indirect_dma semaphore(%run_scoped3A : memref<!tpu.dma_semaphore, #tpu.memory_space<semaphore_mem>>) src(%arg9 : memref<128x128xf32, #tpu.memory_space<vmem>>) dst(%dma_wait3A_43 : memref<10240x128xf32, #tpu.memory_space<vmem_shared>>)
          tpu.yield
        }) : () -> ()
      }
      %scan3A_22 = arith.constant 72 : i32
      %mul3A_23 = arith.constant 136 : i32
      %mul3A_24 = arith.muli %arg1, %mul3A_23 : i32
      %add3A_25 = arith.constant 72 : i32
      %add3A_26 = arith.addi %mul3A_24, %add3A_25 : i32
      "tpu.region"() ({
        %run_scoped3A = tpu.sem_alloc : memref<!tpu.dma_semaphore, #tpu.memory_space<semaphore_mem>>
        %dma_start3A = arith.constant 0 : i32
        %dma_start3A_33 = arith.constant 0 : i32
        %dma_start3A_34 = tpu.memref_slice %arg7[%dma_start3A, %dma_start3A_33] : memref<72x128xi32, #tpu.memory_space<vmem>> -> memref<64x128xi32, #tpu.memory_space<vmem>>
        %dma_start3A_35 = arith.constant 0 : i32
        %dma_start3A_36 = tpu.memref_slice %arg3[%add3A_26, %dma_start3A_35] : memref<2560x128xi32, #tpu.memory_space<hbm>> -> memref<64x128xi32, #tpu.memory_space<hbm>>
        %dma_start3A_37 = arith.constant 0 : i32
        %dma_start3A_38 = arith.constant 0 : i32
        %dma_start3A_39 = tpu.memref_slice %arg7[%dma_start3A_37, %dma_start3A_38] : memref<72x128xi32, #tpu.memory_space<vmem>> -> memref<64x128xi32, #tpu.memory_space<vmem>>
        %dma_start3A_40 = arith.constant 0 : i32
        %dma_start3A_41 = tpu.memref_slice %arg3[%add3A_26, %dma_start3A_40] : memref<2560x128xi32, #tpu.memory_space<hbm>> -> memref<64x128xi32, #tpu.memory_space<hbm>>
        tpu.enqueue_dma source(%dma_start3A_41 : memref<64x128xi32, #tpu.memory_space<hbm>>) target(%dma_start3A_39 : memref<64x128xi32, #tpu.memory_space<vmem>>) target_semaphore(%run_scoped3A : memref<!tpu.dma_semaphore, #tpu.memory_space<semaphore_mem>>)
        %dma_wait3A = arith.constant 0 : i32
        %dma_wait3A_42 = arith.constant 0 : i32
        %dma_wait3A_43 = tpu.memref_slice %arg7[%dma_wait3A, %dma_wait3A_42] : memref<72x128xi32, #tpu.memory_space<vmem>> -> memref<64x128xi32, #tpu.memory_space<vmem>>
        %dma_wait3A_44 = arith.constant 0 : i32
        %dma_wait3A_45 = tpu.memref_slice %arg3[%add3A_26, %dma_wait3A_44] : memref<2560x128xi32, #tpu.memory_space<hbm>> -> memref<64x128xi32, #tpu.memory_space<hbm>>
        %dma_wait3A_46 = arith.constant 0 : i32
        %dma_wait3A_47 = arith.constant 0 : i32
        %dma_wait3A_48 = tpu.memref_slice %arg7[%dma_wait3A_46, %dma_wait3A_47] : memref<72x128xi32, #tpu.memory_space<vmem>> -> memref<64x128xi32, #tpu.memory_space<vmem>>
        %dma_wait3A_49 = arith.constant 0 : i32
        %dma_wait3A_50 = tpu.memref_slice %arg3[%add3A_26, %dma_wait3A_49] : memref<2560x128xi32, #tpu.memory_space<hbm>> -> memref<64x128xi32, #tpu.memory_space<hbm>>
        tpu.wait_dma2 semaphore(%run_scoped3A : memref<!tpu.dma_semaphore, #tpu.memory_space<semaphore_mem>>) src(%dma_wait3A_50 : memref<64x128xi32, #tpu.memory_space<hbm>>) dst(%dma_wait3A_48 : memref<64x128xi32, #tpu.memory_space<vmem>>)
        tpu.yield
      }) : () -> ()
      "tpu.region"() ({
        %run_scoped3A = tpu.sem_alloc : memref<!tpu.dma_semaphore, #tpu.memory_space<semaphore_mem>>
        %dma_start3A = arith.constant 0 : i32
        %dma_start3A_33 = arith.constant 0 : i32
        %dma_start3A_34 = tpu.memref_slice %arg8[%dma_start3A, %dma_start3A_33] : memref<72x128xi32, #tpu.memory_space<vmem>> -> memref<64x128xi32, #tpu.memory_space<vmem>>
        %dma_start3A_35 = arith.constant 0 : i32
        %dma_start3A_36 = tpu.memref_slice %arg4[%add3A_26, %dma_start3A_35] : memref<2560x128xi32, #tpu.memory_space<hbm>> -> memref<64x128xi32, #tpu.memory_space<hbm>>
        %dma_start3A_37 = arith.constant 0 : i32
        %dma_start3A_38 = arith.constant 0 : i32
        %dma_start3A_39 = tpu.memref_slice %arg8[%dma_start3A_37, %dma_start3A_38] : memref<72x128xi32, #tpu.memory_space<vmem>> -> memref<64x128xi32, #tpu.memory_space<vmem>>
        %dma_start3A_40 = arith.constant 0 : i32
        %dma_start3A_41 = tpu.memref_slice %arg4[%add3A_26, %dma_start3A_40] : memref<2560x128xi32, #tpu.memory_space<hbm>> -> memref<64x128xi32, #tpu.memory_space<hbm>>
        tpu.enqueue_dma source(%dma_start3A_41 : memref<64x128xi32, #tpu.memory_space<hbm>>) target(%dma_start3A_39 : memref<64x128xi32, #tpu.memory_space<vmem>>) target_semaphore(%run_scoped3A : memref<!tpu.dma_semaphore, #tpu.memory_space<semaphore_mem>>)
        %dma_wait3A = arith.constant 0 : i32
        %dma_wait3A_42 = arith.constant 0 : i32
        %dma_wait3A_43 = tpu.memref_slice %arg8[%dma_wait3A, %dma_wait3A_42] : memref<72x128xi32, #tpu.memory_space<vmem>> -> memref<64x128xi32, #tpu.memory_space<vmem>>
        %dma_wait3A_44 = arith.constant 0 : i32
        %dma_wait3A_45 = tpu.memref_slice %arg4[%add3A_26, %dma_wait3A_44] : memref<2560x128xi32, #tpu.memory_space<hbm>> -> memref<64x128xi32, #tpu.memory_space<hbm>>
        %dma_wait3A_46 = arith.constant 0 : i32
        %dma_wait3A_47 = arith.constant 0 : i32
        %dma_wait3A_48 = tpu.memref_slice %arg8[%dma_wait3A_46, %dma_wait3A_47] : memref<72x128xi32, #tpu.memory_space<vmem>> -> memref<64x128xi32, #tpu.memory_space<vmem>>
        %dma_wait3A_49 = arith.constant 0 : i32
        %dma_wait3A_50 = tpu.memref_slice %arg4[%add3A_26, %dma_wait3A_49] : memref<2560x128xi32, #tpu.memory_space<hbm>> -> memref<64x128xi32, #tpu.memory_space<hbm>>
        tpu.wait_dma2 semaphore(%run_scoped3A : memref<!tpu.dma_semaphore, #tpu.memory_space<semaphore_mem>>) src(%dma_wait3A_50 : memref<64x128xi32, #tpu.memory_space<hbm>>) dst(%dma_wait3A_48 : memref<64x128xi32, #tpu.memory_space<vmem>>)
        tpu.yield
      }) : () -> ()
      %scan3A_27 = arith.constant 0 : i32
      %scan3A_28 = arith.constant 0 : i32
      %scan3A_29 = arith.constant 64 : i32
      %scan3A_30 = arith.addi %scan3A_28, %scan3A_29 : i32
      %scan3A_31 = arith.constant 1 : i32
      scf.for %scan3A_33 = %scan3A_28 to %scan3A_30 step %scan3A_31  : i32 {
        "tpu.region"() ({
          %run_scoped3A = tpu.sem_alloc : memref<!tpu.dma_semaphore, #tpu.memory_space<semaphore_mem>>
          %dma_start3A = arith.constant 0 : i32
          %dma_start3A_34 = tpu.memref_slice %arg7[%scan3A_33, %dma_start3A] : memref<72x128xi32, #tpu.memory_space<vmem>> -> memref<1x128xi32, #tpu.memory_space<vmem>>
          %dma_start3A_35 = tpu.memref_squeeze %dma_start3A_34 : memref<1x128xi32, #tpu.memory_space<vmem>> -> memref<128xi32, #tpu.memory_space<vmem>>
          %dma_start3A_36 = arith.constant 0 : i32
          %dma_start3A_37 = arith.constant 0 : i32
          %dma_start3A_38 = tpu.memref_slice %arg2[%dma_start3A_36, %dma_start3A_37] : memref<10000x128xf32, #tpu.memory_space<hbm>> -> memref<10000x128xf32, #tpu.memory_space<hbm>>
          tpu.enqueue_indirect_dma source(%dma_start3A_38 : memref<10000x128xf32, #tpu.memory_space<hbm>>) target(%arg9 : memref<128x128xf32, #tpu.memory_space<vmem>>) offsets(%dma_start3A_35 : memref<128xi32, #tpu.memory_space<vmem>>) semaphore(%run_scoped3A : memref<!tpu.dma_semaphore, #tpu.memory_space<semaphore_mem>>)
          %dma_wait3A = arith.constant 0 : i32
          %dma_wait3A_39 = tpu.memref_slice %arg7[%scan3A_33, %dma_wait3A] : memref<72x128xi32, #tpu.memory_space<vmem>> -> memref<1x128xi32, #tpu.memory_space<vmem>>
          %dma_wait3A_40 = tpu.memref_squeeze %dma_wait3A_39 : memref<1x128xi32, #tpu.memory_space<vmem>> -> memref<128xi32, #tpu.memory_space<vmem>>
          %dma_wait3A_41 = arith.constant 0 : i32
          %dma_wait3A_42 = arith.constant 0 : i32
          %dma_wait3A_43 = tpu.memref_slice %arg2[%dma_wait3A_41, %dma_wait3A_42] : memref<10000x128xf32, #tpu.memory_space<hbm>> -> memref<10000x128xf32, #tpu.memory_space<hbm>>
          tpu.wait_indirect_dma semaphore(%run_scoped3A : memref<!tpu.dma_semaphore, #tpu.memory_space<semaphore_mem>>) src(%dma_wait3A_43 : memref<10000x128xf32, #tpu.memory_space<hbm>>) dst(%arg9 : memref<128x128xf32, #tpu.memory_space<vmem>>)
          tpu.yield
        }) : () -> ()
        "tpu.region"() ({
          %run_scoped3A = tpu.sem_alloc : memref<!tpu.dma_semaphore, #tpu.memory_space<semaphore_mem>>
          %dma_start3A = arith.constant 0 : i32
          %dma_start3A_34 = tpu.memref_slice %arg8[%scan3A_33, %dma_start3A] : memref<72x128xi32, #tpu.memory_space<vmem>> -> memref<1x128xi32, #tpu.memory_space<vmem>>
          %dma_start3A_35 = tpu.memref_squeeze %dma_start3A_34 : memref<1x128xi32, #tpu.memory_space<vmem>> -> memref<128xi32, #tpu.memory_space<vmem>>
          %dma_start3A_36 = arith.constant 0 : i32
          %dma_start3A_37 = arith.constant 0 : i32
          %dma_start3A_38 = tpu.memref_slice %arg10[%dma_start3A_36, %dma_start3A_37] : memref<10240x128xf32, #tpu.memory_space<vmem_shared>> -> memref<10240x128xf32, #tpu.memory_space<vmem_shared>>
          tpu.enqueue_indirect_dma source(%arg9 : memref<128x128xf32, #tpu.memory_space<vmem>>) target(%dma_start3A_38 : memref<10240x128xf32, #tpu.memory_space<vmem_shared>>) offsets(%dma_start3A_35 : memref<128xi32, #tpu.memory_space<vmem>>) semaphore(%run_scoped3A : memref<!tpu.dma_semaphore, #tpu.memory_space<semaphore_mem>>) {add = true}
          %dma_wait3A = arith.constant 0 : i32
          %dma_wait3A_39 = tpu.memref_slice %arg8[%scan3A_33, %dma_wait3A] : memref<72x128xi32, #tpu.memory_space<vmem>> -> memref<1x128xi32, #tpu.memory_space<vmem>>
          %dma_wait3A_40 = tpu.memref_squeeze %dma_wait3A_39 : memref<1x128xi32, #tpu.memory_space<vmem>> -> memref<128xi32, #tpu.memory_space<vmem>>
          %dma_wait3A_41 = arith.constant 0 : i32
          %dma_wait3A_42 = arith.constant 0 : i32
          %dma_wait3A_43 = tpu.memref_slice %arg10[%dma_wait3A_41, %dma_wait3A_42] : memref<10240x128xf32, #tpu.memory_space<vmem_shared>> -> memref<10240x128xf32, #tpu.memory_space<vmem_shared>>
          tpu.wait_indirect_dma semaphore(%run_scoped3A : memref<!tpu.dma_semaphore, #tpu.memory_space<semaphore_mem>>) src(%arg9 : memref<128x128xf32, #tpu.memory_space<vmem>>) dst(%dma_wait3A_43 : memref<10240x128xf32, #tpu.memory_space<vmem_shared>>)
          tpu.yield
        }) : () -> ()
      }
      %scan3A_32 = arith.constant 64 : i32
    } else {
    }
    %eq3A_5 = arith.constant 1 : i32
    %eq3A_6 = arith.cmpi eq, %arg0, %eq3A_5 : i32
    %convert_element_type3A_7 = arith.extui %eq3A_6 : i1 to i32
    %cond3A_8 = arith.constant 0 : i32
    %cond3A_9 = arith.cmpi ne, %convert_element_type3A_7, %cond3A_8 : i32
    scf.if %cond3A_9 {
      %mul3A_16 = arith.constant 24 : i32
      %mul3A_17 = arith.muli %arg1, %mul3A_16 : i32
      %add3A_18 = arith.constant 2176 : i32
      %add3A_19 = arith.addi %add3A_18, %mul3A_17 : i32
      "tpu.region"() ({
        %run_scoped3A = tpu.sem_alloc : memref<!tpu.dma_semaphore, #tpu.memory_space<semaphore_mem>>
        %dma_start3A = arith.constant 0 : i32
        %dma_start3A_25 = arith.constant 0 : i32
        %dma_start3A_26 = tpu.memref_slice %arg7[%dma_start3A, %dma_start3A_25] : memref<72x128xi32, #tpu.memory_space<vmem>> -> memref<24x128xi32, #tpu.memory_space<vmem>>
        %dma_start3A_27 = arith.constant 0 : i32
        %dma_start3A_28 = tpu.memref_slice %arg3[%add3A_19, %dma_start3A_27] : memref<2560x128xi32, #tpu.memory_space<hbm>> -> memref<24x128xi32, #tpu.memory_space<hbm>>
        %dma_start3A_29 = arith.constant 0 : i32
        %dma_start3A_30 = arith.constant 0 : i32
        %dma_start3A_31 = tpu.memref_slice %arg7[%dma_start3A_29, %dma_start3A_30] : memref<72x128xi32, #tpu.memory_space<vmem>> -> memref<24x128xi32, #tpu.memory_space<vmem>>
        %dma_start3A_32 = arith.constant 0 : i32
        %dma_start3A_33 = tpu.memref_slice %arg3[%add3A_19, %dma_start3A_32] : memref<2560x128xi32, #tpu.memory_space<hbm>> -> memref<24x128xi32, #tpu.memory_space<hbm>>
        tpu.enqueue_dma source(%dma_start3A_33 : memref<24x128xi32, #tpu.memory_space<hbm>>) target(%dma_start3A_31 : memref<24x128xi32, #tpu.memory_space<vmem>>) target_semaphore(%run_scoped3A : memref<!tpu.dma_semaphore, #tpu.memory_space<semaphore_mem>>)
        %dma_wait3A = arith.constant 0 : i32
        %dma_wait3A_34 = arith.constant 0 : i32
        %dma_wait3A_35 = tpu.memref_slice %arg7[%dma_wait3A, %dma_wait3A_34] : memref<72x128xi32, #tpu.memory_space<vmem>> -> memref<24x128xi32, #tpu.memory_space<vmem>>
        %dma_wait3A_36 = arith.constant 0 : i32
        %dma_wait3A_37 = tpu.memref_slice %arg3[%add3A_19, %dma_wait3A_36] : memref<2560x128xi32, #tpu.memory_space<hbm>> -> memref<24x128xi32, #tpu.memory_space<hbm>>
        %dma_wait3A_38 = arith.constant 0 : i32
        %dma_wait3A_39 = arith.constant 0 : i32
        %dma_wait3A_40 = tpu.memref_slice %arg7[%dma_wait3A_38, %dma_wait3A_39] : memref<72x128xi32, #tpu.memory_space<vmem>> -> memref<24x128xi32, #tpu.memory_space<vmem>>
        %dma_wait3A_41 = arith.constant 0 : i32
        %dma_wait3A_42 = tpu.memref_slice %arg3[%add3A_19, %dma_wait3A_41] : memref<2560x128xi32, #tpu.memory_space<hbm>> -> memref<24x128xi32, #tpu.memory_space<hbm>>
        tpu.wait_dma2 semaphore(%run_scoped3A : memref<!tpu.dma_semaphore, #tpu.memory_space<semaphore_mem>>) src(%dma_wait3A_42 : memref<24x128xi32, #tpu.memory_space<hbm>>) dst(%dma_wait3A_40 : memref<24x128xi32, #tpu.memory_space<vmem>>)
        tpu.yield
      }) : () -> ()
      "tpu.region"() ({
        %run_scoped3A = tpu.sem_alloc : memref<!tpu.dma_semaphore, #tpu.memory_space<semaphore_mem>>
        %dma_start3A = arith.constant 0 : i32
        %dma_start3A_25 = arith.constant 0 : i32
        %dma_start3A_26 = tpu.memref_slice %arg8[%dma_start3A, %dma_start3A_25] : memref<72x128xi32, #tpu.memory_space<vmem>> -> memref<24x128xi32, #tpu.memory_space<vmem>>
        %dma_start3A_27 = arith.constant 0 : i32
        %dma_start3A_28 = tpu.memref_slice %arg4[%add3A_19, %dma_start3A_27] : memref<2560x128xi32, #tpu.memory_space<hbm>> -> memref<24x128xi32, #tpu.memory_space<hbm>>
        %dma_start3A_29 = arith.constant 0 : i32
        %dma_start3A_30 = arith.constant 0 : i32
        %dma_start3A_31 = tpu.memref_slice %arg8[%dma_start3A_29, %dma_start3A_30] : memref<72x128xi32, #tpu.memory_space<vmem>> -> memref<24x128xi32, #tpu.memory_space<vmem>>
        %dma_start3A_32 = arith.constant 0 : i32
        %dma_start3A_33 = tpu.memref_slice %arg4[%add3A_19, %dma_start3A_32] : memref<2560x128xi32, #tpu.memory_space<hbm>> -> memref<24x128xi32, #tpu.memory_space<hbm>>
        tpu.enqueue_dma source(%dma_start3A_33 : memref<24x128xi32, #tpu.memory_space<hbm>>) target(%dma_start3A_31 : memref<24x128xi32, #tpu.memory_space<vmem>>) target_semaphore(%run_scoped3A : memref<!tpu.dma_semaphore, #tpu.memory_space<semaphore_mem>>)
        %dma_wait3A = arith.constant 0 : i32
        %dma_wait3A_34 = arith.constant 0 : i32
        %dma_wait3A_35 = tpu.memref_slice %arg8[%dma_wait3A, %dma_wait3A_34] : memref<72x128xi32, #tpu.memory_space<vmem>> -> memref<24x128xi32, #tpu.memory_space<vmem>>
        %dma_wait3A_36 = arith.constant 0 : i32
        %dma_wait3A_37 = tpu.memref_slice %arg4[%add3A_19, %dma_wait3A_36] : memref<2560x128xi32, #tpu.memory_space<hbm>> -> memref<24x128xi32, #tpu.memory_space<hbm>>
        %dma_wait3A_38 = arith.constant 0 : i32
        %dma_wait3A_39 = arith.constant 0 : i32
        %dma_wait3A_40 = tpu.memref_slice %arg8[%dma_wait3A_38, %dma_wait3A_39] : memref<72x128xi32, #tpu.memory_space<vmem>> -> memref<24x128xi32, #tpu.memory_space<vmem>>
        %dma_wait3A_41 = arith.constant 0 : i32
        %dma_wait3A_42 = tpu.memref_slice %arg4[%add3A_19, %dma_wait3A_41] : memref<2560x128xi32, #tpu.memory_space<hbm>> -> memref<24x128xi32, #tpu.memory_space<hbm>>
        tpu.wait_dma2 semaphore(%run_scoped3A : memref<!tpu.dma_semaphore, #tpu.memory_space<semaphore_mem>>) src(%dma_wait3A_42 : memref<24x128xi32, #tpu.memory_space<hbm>>) dst(%dma_wait3A_40 : memref<24x128xi32, #tpu.memory_space<vmem>>)
        tpu.yield
      }) : () -> ()
      %scan3A = arith.constant 0 : i32
      %scan3A_20 = arith.constant 0 : i32
      %scan3A_21 = arith.constant 24 : i32
      %scan3A_22 = arith.addi %scan3A_20, %scan3A_21 : i32
      %scan3A_23 = arith.constant 1 : i32
      scf.for %scan3A_25 = %scan3A_20 to %scan3A_22 step %scan3A_23  : i32 {
        "tpu.region"() ({
          %run_scoped3A = tpu.sem_alloc : memref<!tpu.dma_semaphore, #tpu.memory_space<semaphore_mem>>
          %dma_start3A = arith.constant 0 : i32
          %dma_start3A_26 = tpu.memref_slice %arg7[%scan3A_25, %dma_start3A] : memref<72x128xi32, #tpu.memory_space<vmem>> -> memref<1x128xi32, #tpu.memory_space<vmem>>
          %dma_start3A_27 = tpu.memref_squeeze %dma_start3A_26 : memref<1x128xi32, #tpu.memory_space<vmem>> -> memref<128xi32, #tpu.memory_space<vmem>>
          %dma_start3A_28 = arith.constant 0 : i32
          %dma_start3A_29 = arith.constant 0 : i32
          %dma_start3A_30 = tpu.memref_slice %arg2[%dma_start3A_28, %dma_start3A_29] : memref<10000x128xf32, #tpu.memory_space<hbm>> -> memref<10000x128xf32, #tpu.memory_space<hbm>>
          tpu.enqueue_indirect_dma source(%dma_start3A_30 : memref<10000x128xf32, #tpu.memory_space<hbm>>) target(%arg9 : memref<128x128xf32, #tpu.memory_space<vmem>>) offsets(%dma_start3A_27 : memref<128xi32, #tpu.memory_space<vmem>>) semaphore(%run_scoped3A : memref<!tpu.dma_semaphore, #tpu.memory_space<semaphore_mem>>)
          %dma_wait3A = arith.constant 0 : i32
          %dma_wait3A_31 = tpu.memref_slice %arg7[%scan3A_25, %dma_wait3A] : memref<72x128xi32, #tpu.memory_space<vmem>> -> memref<1x128xi32, #tpu.memory_space<vmem>>
          %dma_wait3A_32 = tpu.memref_squeeze %dma_wait3A_31 : memref<1x128xi32, #tpu.memory_space<vmem>> -> memref<128xi32, #tpu.memory_space<vmem>>
          %dma_wait3A_33 = arith.constant 0 : i32
          %dma_wait3A_34 = arith.constant 0 : i32
          %dma_wait3A_35 = tpu.memref_slice %arg2[%dma_wait3A_33, %dma_wait3A_34] : memref<10000x128xf32, #tpu.memory_space<hbm>> -> memref<10000x128xf32, #tpu.memory_space<hbm>>
          tpu.wait_indirect_dma semaphore(%run_scoped3A : memref<!tpu.dma_semaphore, #tpu.memory_space<semaphore_mem>>) src(%dma_wait3A_35 : memref<10000x128xf32, #tpu.memory_space<hbm>>) dst(%arg9 : memref<128x128xf32, #tpu.memory_space<vmem>>)
          tpu.yield
        }) : () -> ()
        "tpu.region"() ({
          %run_scoped3A = tpu.sem_alloc : memref<!tpu.dma_semaphore, #tpu.memory_space<semaphore_mem>>
          %dma_start3A = arith.constant 0 : i32
          %dma_start3A_26 = tpu.memref_slice %arg8[%scan3A_25, %dma_start3A] : memref<72x128xi32, #tpu.memory_space<vmem>> -> memref<1x128xi32, #tpu.memory_space<vmem>>
          %dma_start3A_27 = tpu.memref_squeeze %dma_start3A_26 : memref<1x128xi32, #tpu.memory_space<vmem>> -> memref<128xi32, #tpu.memory_space<vmem>>
          %dma_start3A_28 = arith.constant 0 : i32
          %dma_start3A_29 = arith.constant 0 : i32
          %dma_start3A_30 = tpu.memref_slice %arg10[%dma_start3A_28, %dma_start3A_29] : memref<10240x128xf32, #tpu.memory_space<vmem_shared>> -> memref<10240x128xf32, #tpu.memory_space<vmem_shared>>
          tpu.enqueue_indirect_dma source(%arg9 : memref<128x128xf32, #tpu.memory_space<vmem>>) target(%dma_start3A_30 : memref<10240x128xf32, #tpu.memory_space<vmem_shared>>) offsets(%dma_start3A_27 : memref<128xi32, #tpu.memory_space<vmem>>) semaphore(%run_scoped3A : memref<!tpu.dma_semaphore, #tpu.memory_space<semaphore_mem>>) {add = true}
          %dma_wait3A = arith.constant 0 : i32
          %dma_wait3A_31 = tpu.memref_slice %arg8[%scan3A_25, %dma_wait3A] : memref<72x128xi32, #tpu.memory_space<vmem>> -> memref<1x128xi32, #tpu.memory_space<vmem>>
          %dma_wait3A_32 = tpu.memref_squeeze %dma_wait3A_31 : memref<1x128xi32, #tpu.memory_space<vmem>> -> memref<128xi32, #tpu.memory_space<vmem>>
          %dma_wait3A_33 = arith.constant 0 : i32
          %dma_wait3A_34 = arith.constant 0 : i32
          %dma_wait3A_35 = tpu.memref_slice %arg10[%dma_wait3A_33, %dma_wait3A_34] : memref<10240x128xf32, #tpu.memory_space<vmem_shared>> -> memref<10240x128xf32, #tpu.memory_space<vmem_shared>>
          tpu.wait_indirect_dma semaphore(%run_scoped3A : memref<!tpu.dma_semaphore, #tpu.memory_space<semaphore_mem>>) src(%arg9 : memref<128x128xf32, #tpu.memory_space<vmem>>) dst(%dma_wait3A_35 : memref<10240x128xf32, #tpu.memory_space<vmem_shared>>)
          tpu.yield
        }) : () -> ()
      }
      %scan3A_24 = arith.constant 24 : i32
    } else {
    }
    %barrier3A = arith.constant 0 : index
    tpu.barrier barrier_id(%barrier3A)
    %mul3A_10 = arith.constant 640 : i32
    %mul3A_11 = arith.muli %arg1, %mul3A_10 : i32
    %mul3A_12 = arith.constant 10240 : i32
    %mul3A_13 = arith.muli %arg0, %mul3A_12 : i32
    %mul3A_14 = arith.constant 640 : i32
    %mul3A_15 = arith.muli %arg1, %mul3A_14 : i32
    %add3A = arith.addi %mul3A_13, %mul3A_15 : i32
    "tpu.region"() ({
      %run_scoped3A = tpu.sem_alloc : memref<!tpu.dma_semaphore, #tpu.memory_space<semaphore_mem>>
      %dma_start3A = arith.constant 0 : i32
      %dma_start3A_16 = tpu.memref_slice %arg6[%add3A, %dma_start3A] : memref<20480x128xf32, #tpu.memory_space<hbm>> -> memref<640x128xf32, #tpu.memory_space<hbm>>
      %dma_start3A_17 = arith.constant 0 : i32
      %dma_start3A_18 = tpu.memref_slice %arg10[%mul3A_11, %dma_start3A_17] : memref<10240x128xf32, #tpu.memory_space<vmem_shared>> -> memref<640x128xf32, #tpu.memory_space<vmem_shared>>
      tpu.enqueue_dma source(%dma_start3A_18 : memref<640x128xf32, #tpu.memory_space<vmem_shared>>) target(%dma_start3A_16 : memref<640x128xf32, #tpu.memory_space<hbm>>) target_semaphore(%run_scoped3A : memref<!tpu.dma_semaphore, #tpu.memory_space<semaphore_mem>>)
      %dma_wait3A = arith.constant 0 : i32
      %dma_wait3A_19 = tpu.memref_slice %arg6[%add3A, %dma_wait3A] : memref<20480x128xf32, #tpu.memory_space<hbm>> -> memref<640x128xf32, #tpu.memory_space<hbm>>
      %dma_wait3A_20 = arith.constant 0 : i32
      %dma_wait3A_21 = tpu.memref_slice %arg10[%mul3A_11, %dma_wait3A_20] : memref<10240x128xf32, #tpu.memory_space<vmem_shared>> -> memref<640x128xf32, #tpu.memory_space<vmem_shared>>
      tpu.wait_dma2 semaphore(%run_scoped3A : memref<!tpu.dma_semaphore, #tpu.memory_space<semaphore_mem>>) src(%dma_wait3A_21 : memref<640x128xf32, #tpu.memory_space<vmem_shared>>) dst(%dma_wait3A_19 : memref<640x128xf32, #tpu.memory_space<hbm>>)
      tpu.yield
    }) : () -> ()
    return
  }
}

module attributes {stable_mosaic.version = 14 : i64} {
  func.func @_mm_scale_body(%arg0: i32, %arg1: memref<2x1000x128xf32, #tpu.memory_space<vmem>>, %arg2: memref<1000x128xf32, #tpu.memory_space<vmem>>, %arg3: memref<128x128xf32, #tpu.memory_space<vmem>>, %arg4: memref<1000x128xf32, #tpu.memory_space<vmem>>) attributes {dimension_semantics = [#tpu.dimension_semantics<arbitrary>], iteration_bounds = array<i64: 10>, scalar_prefetch = 0 : i64, scratch_operands = 0 : i64, tpu.core_type = #tpu.core_type<tc>, window_params = [{transform_indices = @transform_0, window_bounds = array<i64: 2, 1000, 128>}, {transform_indices = @transform_1, window_bounds = array<i64: 1000, 128>}, {pipeline_mode = #tpu.pipeline_mode<synchronous>, transform_indices = @transform_2, window_bounds = array<i64: 128, 128>}, {transform_indices = @transform_3, window_bounds = array<i64: 1000, 128>}]} {
    %get3A = arith.constant 0 : index
    %get3A_0 = arith.constant 0 : index
    %get3A_1 = vector.load %arg2[%get3A, %get3A_0] : memref<1000x128xf32, #tpu.memory_space<vmem>>, vector<1000x128xf32>
    %get3A_2 = arith.constant 0 : index
    %get3A_3 = arith.constant 0 : index
    %get3A_4 = vector.load %arg3[%get3A_2, %get3A_3] : memref<128x128xf32, #tpu.memory_space<vmem>>, vector<128x128xf32>
    %dot_general3A = arith.constant dense<0.000000e+00> : vector<1000x128xf32>
    %dot_general3A_5 = tpu.matmul %get3A_1, %get3A_4, %dot_general3A {dimension_numbers = #tpu.dot_dimension_numbers<[1], [0], [0], [1], [0, 0, 1, 1], [], []>, transpose_lhs_hint = false} : vector<1000x128xf32>, vector<128x128xf32>, vector<1000x128xf32> -> vector<1000x128xf32>
    %get3A_6 = arith.constant 0 : index
    %get3A_7 = arith.constant 0 : index
    %get3A_8 = arith.constant 0 : index
    %get3A_9 = vector.load %arg1[%get3A_6, %get3A_7, %get3A_8] : memref<2x1000x128xf32, #tpu.memory_space<vmem>>, vector<1x1000x1xf32>
    %get3A_10 = vector.shape_cast %get3A_9 : vector<1x1000x1xf32> to vector<1000x1xf32>
    %get3A_11 = arith.constant 1 : index
    %get3A_12 = arith.constant 0 : index
    %get3A_13 = arith.constant 0 : index
    %get3A_14 = vector.load %arg1[%get3A_11, %get3A_12, %get3A_13] : memref<2x1000x128xf32, #tpu.memory_space<vmem>>, vector<1x1000x1xf32>
    %get3A_15 = vector.shape_cast %get3A_14 : vector<1x1000x1xf32> to vector<1000x1xf32>
    %add3A = arith.addf %get3A_10, %get3A_15 : vector<1000x1xf32>
    %add3A_16 = arith.constant 1.000000e+00 : f32
    %add3A_17 = vector.broadcast %add3A_16 : f32 to vector<1000x1xf32>
    %add3A_18 = arith.addf %add3A, %add3A_17 : vector<1000x1xf32>
    %rsqrt3A = math.rsqrt %add3A_18 : vector<1000x1xf32>
    %mul3A = vector.broadcast %rsqrt3A : vector<1000x1xf32> to vector<1000x128xf32>
    %mul3A_19 = arith.mulf %dot_general3A_5, %mul3A : vector<1000x128xf32>
    %swap3A = arith.constant 0 : index
    %swap3A_20 = arith.constant 0 : index
    %swap3A_21 = vector.load %arg4[%swap3A, %swap3A_20] : memref<1000x128xf32, #tpu.memory_space<vmem>>, vector<1000x128xf32>
    tpu.vector_store %arg4[%swap3A, %swap3A_20], %mul3A_19 {strides = array<i32>} : memref<1000x128xf32, #tpu.memory_space<vmem>>, vector<1000x128xf32>,
    return
  }
  func.func @transform_0(%arg0: i32) -> (i32, i32, i32) {
    %c0_i32 = arith.constant 0 : i32
    %c0_i32_0 = arith.constant 0 : i32
    %c0_i32_1 = arith.constant 0 : i32
    return %c0_i32, %arg0, %c0_i32_0 : i32, i32, i32
  }
  func.func @transform_1(%arg0: i32) -> (i32, i32) {
    %c0_i32 = arith.constant 0 : i32
    %c0_i32_0 = arith.constant 0 : i32
    return %arg0, %c0_i32 : i32, i32
  }
  func.func @transform_2(%arg0: i32) -> (i32, i32) {
    %c0_i32 = arith.constant 0 : i32
    %c0_i32_0 = arith.constant 0 : i32
    %c0_i32_1 = arith.constant 0 : i32
    return %c0_i32, %c0_i32_0 : i32, i32
  }
  func.func @transform_3(%arg0: i32) -> (i32, i32) {
    %c0_i32 = arith.constant 0 : i32
    %c0_i32_0 = arith.constant 0 : i32
    return %arg0, %c0_i32 : i32, i32
  }
}

module attributes {stable_mosaic.version = 14 : i64} {
  func.func @_mid_body(%arg0: i32, %arg1: memref<2x1000x128xf32, #tpu.memory_space<vmem>>, %arg2: memref<2x1000x128xf32, #tpu.memory_space<vmem>>, %arg3: memref<1000x128xf32, #tpu.memory_space<vmem>>, %arg4: memref<1x128xf32, #tpu.memory_space<vmem>>, %arg5: memref<128x128xf32, #tpu.memory_space<vmem>>, %arg6: memref<1000x128xf32, #tpu.memory_space<vmem>>) attributes {dimension_semantics = [#tpu.dimension_semantics<arbitrary>], iteration_bounds = array<i64: 10>, scalar_prefetch = 0 : i64, scratch_operands = 0 : i64, tpu.core_type = #tpu.core_type<tc>, window_params = [{transform_indices = @transform_0, window_bounds = array<i64: 2, 1000, 128>}, {transform_indices = @transform_1, window_bounds = array<i64: 2, 1000, 128>}, {transform_indices = @transform_2, window_bounds = array<i64: 1000, 128>}, {pipeline_mode = #tpu.pipeline_mode<synchronous>, transform_indices = @transform_3, window_bounds = array<i64: 1, 128>}, {pipeline_mode = #tpu.pipeline_mode<synchronous>, transform_indices = @transform_4, window_bounds = array<i64: 128, 128>}, {transform_indices = @transform_5, window_bounds = array<i64: 1000, 128>}]} {
    %get3A = arith.constant 0 : index
    %get3A_0 = arith.constant 0 : index
    %get3A_1 = arith.constant 0 : index
    %get3A_2 = vector.load %arg1[%get3A, %get3A_0, %get3A_1] : memref<2x1000x128xf32, #tpu.memory_space<vmem>>, vector<1x1000x1xf32>
    %get3A_3 = vector.shape_cast %get3A_2 : vector<1x1000x1xf32> to vector<1000x1xf32>
    %get3A_4 = arith.constant 1 : index
    %get3A_5 = arith.constant 0 : index
    %get3A_6 = arith.constant 0 : index
    %get3A_7 = vector.load %arg1[%get3A_4, %get3A_5, %get3A_6] : memref<2x1000x128xf32, #tpu.memory_space<vmem>>, vector<1x1000x1xf32>
    %get3A_8 = vector.shape_cast %get3A_7 : vector<1x1000x1xf32> to vector<1000x1xf32>
    %add3A = arith.addf %get3A_3, %get3A_8 : vector<1000x1xf32>
    %add3A_9 = arith.constant 1.000000e+00 : f32
    %add3A_10 = vector.broadcast %add3A_9 : f32 to vector<1000x1xf32>
    %add3A_11 = arith.addf %add3A, %add3A_10 : vector<1000x1xf32>
    %rsqrt3A = math.rsqrt %add3A_11 : vector<1000x1xf32>
    %get3A_12 = arith.constant 0 : index
    %get3A_13 = arith.constant 0 : index
    %get3A_14 = arith.constant 0 : index
    %get3A_15 = vector.load %arg2[%get3A_12, %get3A_13, %get3A_14] : memref<2x1000x128xf32, #tpu.memory_space<vmem>>, vector<1x1000x128xf32>
    %get3A_16 = vector.shape_cast %get3A_15 : vector<1x1000x128xf32> to vector<1000x128xf32>
    %get3A_17 = arith.constant 1 : index
    %get3A_18 = arith.constant 0 : index
    %get3A_19 = arith.constant 0 : index
    %get3A_20 = vector.load %arg2[%get3A_17, %get3A_18, %get3A_19] : memref<2x1000x128xf32, #tpu.memory_space<vmem>>, vector<1x1000x128xf32>
    %get3A_21 = vector.shape_cast %get3A_20 : vector<1x1000x128xf32> to vector<1000x128xf32>
    %add3A_22 = arith.addf %get3A_16, %get3A_21 : vector<1000x128xf32>
    %get3A_23 = arith.constant 0 : index
    %get3A_24 = arith.constant 0 : index
    %get3A_25 = vector.load %arg3[%get3A_23, %get3A_24] : memref<1000x128xf32, #tpu.memory_space<vmem>>, vector<1000x128xf32>
    %add3A_26 = arith.addf %add3A_22, %get3A_25 : vector<1000x128xf32>
    %mul3A = vector.broadcast %rsqrt3A : vector<1000x1xf32> to vector<1000x128xf32>
    %mul3A_27 = arith.mulf %add3A_26, %mul3A : vector<1000x128xf32>
    %get3A_28 = arith.constant 0 : index
    %get3A_29 = arith.constant 0 : index
    %get3A_30 = vector.load %arg4[%get3A_28, %get3A_29] : memref<1x128xf32, #tpu.memory_space<vmem>>, vector<1x128xf32>
    %add3A_31 = vector.broadcast %get3A_30 : vector<1x128xf32> to vector<1000x128xf32>
    %add3A_32 = arith.addf %mul3A_27, %add3A_31 : vector<1000x128xf32>
    %max3A = arith.constant 0.000000e+00 : f32
    %max3A_33 = vector.broadcast %max3A : f32 to vector<1000x128xf32>
    %max3A_34 = arith.maximumf %add3A_32, %max3A_33 : vector<1000x128xf32>
    %get3A_35 = arith.constant 0 : index
    %get3A_36 = arith.constant 0 : index
    %get3A_37 = vector.load %arg5[%get3A_35, %get3A_36] : memref<128x128xf32, #tpu.memory_space<vmem>>, vector<128x128xf32>
    %dot_general3A = arith.constant dense<0.000000e+00> : vector<1000x128xf32>
    %dot_general3A_38 = tpu.matmul %max3A_34, %get3A_37, %dot_general3A {dimension_numbers = #tpu.dot_dimension_numbers<[1], [0], [0], [1], [0, 0, 1, 1], [], []>, transpose_lhs_hint = false} : vector<1000x128xf32>, vector<128x128xf32>, vector<1000x128xf32> -> vector<1000x128xf32>
    %mul3A_39 = vector.broadcast %rsqrt3A : vector<1000x1xf32> to vector<1000x128xf32>
    %mul3A_40 = arith.mulf %dot_general3A_38, %mul3A_39 : vector<1000x128xf32>
    %swap3A = arith.constant 0 : index
    %swap3A_41 = arith.constant 0 : index
    %swap3A_42 = vector.load %arg6[%swap3A, %swap3A_41] : memref<1000x128xf32, #tpu.memory_space<vmem>>, vector<1000x128xf32>
    tpu.vector_store %arg6[%swap3A, %swap3A_41], %mul3A_40 {strides = array<i32>} : memref<1000x128xf32, #tpu.memory_space<vmem>>, vector<1000x128xf32>,
    return
  }
  func.func @transform_0(%arg0: i32) -> (i32, i32, i32) {
    %c0_i32 = arith.constant 0 : i32
    %c0_i32_0 = arith.constant 0 : i32
    %c0_i32_1 = arith.constant 0 : i32
    return %c0_i32, %arg0, %c0_i32_0 : i32, i32, i32
  }
  func.func @transform_1(%arg0: i32) -> (i32, i32, i32) {
    %c0_i32 = arith.constant 0 : i32
    %c0_i32_0 = arith.constant 0 : i32
    %c0_i32_1 = arith.constant 0 : i32
    return %c0_i32, %arg0, %c0_i32_0 : i32, i32, i32
  }
  func.func @transform_2(%arg0: i32) -> (i32, i32) {
    %c0_i32 = arith.constant 0 : i32
    %c0_i32_0 = arith.constant 0 : i32
    return %arg0, %c0_i32 : i32, i32
  }
  func.func @transform_3(%arg0: i32) -> (i32, i32) {
    %c0_i32 = arith.constant 0 : i32
    %c0_i32_0 = arith.constant 0 : i32
    %c0_i32_1 = arith.constant 0 : i32
    return %c0_i32, %c0_i32_0 : i32, i32
  }
  func.func @transform_4(%arg0: i32) -> (i32, i32) {
    %c0_i32 = arith.constant 0 : i32
    %c0_i32_0 = arith.constant 0 : i32
    %c0_i32_1 = arith.constant 0 : i32
    return %c0_i32, %c0_i32_0 : i32, i32
  }
  func.func @transform_5(%arg0: i32) -> (i32, i32) {
    %c0_i32 = arith.constant 0 : i32
    %c0_i32_0 = arith.constant 0 : i32
    return %arg0, %c0_i32 : i32, i32
  }
}

module attributes {stable_mosaic.version = 14 : i64} {
  func.func @_fin_body(%arg0: i32, %arg1: memref<2x1000x128xf32, #tpu.memory_space<vmem>>, %arg2: memref<2x1000x128xf32, #tpu.memory_space<vmem>>, %arg3: memref<1000x128xf32, #tpu.memory_space<vmem>>, %arg4: memref<1x128xf32, #tpu.memory_space<vmem>>, %arg5: memref<1000x128xf32, #tpu.memory_space<vmem>>) attributes {dimension_semantics = [#tpu.dimension_semantics<arbitrary>], iteration_bounds = array<i64: 10>, scalar_prefetch = 0 : i64, scratch_operands = 0 : i64, tpu.core_type = #tpu.core_type<tc>, window_params = [{transform_indices = @transform_0, window_bounds = array<i64: 2, 1000, 128>}, {transform_indices = @transform_1, window_bounds = array<i64: 2, 1000, 128>}, {transform_indices = @transform_2, window_bounds = array<i64: 1000, 128>}, {pipeline_mode = #tpu.pipeline_mode<synchronous>, transform_indices = @transform_3, window_bounds = array<i64: 1, 128>}, {transform_indices = @transform_4, window_bounds = array<i64: 1000, 128>}]} {
    %get3A = arith.constant 0 : index
    %get3A_0 = arith.constant 0 : index
    %get3A_1 = arith.constant 0 : index
    %get3A_2 = vector.load %arg2[%get3A, %get3A_0, %get3A_1] : memref<2x1000x128xf32, #tpu.memory_space<vmem>>, vector<1x1000x128xf32>
    %get3A_3 = vector.shape_cast %get3A_2 : vector<1x1000x128xf32> to vector<1000x128xf32>
    %get3A_4 = arith.constant 1 : index
    %get3A_5 = arith.constant 0 : index
    %get3A_6 = arith.constant 0 : index
    %get3A_7 = vector.load %arg2[%get3A_4, %get3A_5, %get3A_6] : memref<2x1000x128xf32, #tpu.memory_space<vmem>>, vector<1x1000x128xf32>
    %get3A_8 = vector.shape_cast %get3A_7 : vector<1x1000x128xf32> to vector<1000x128xf32>
    %add3A = arith.addf %get3A_3, %get3A_8 : vector<1000x128xf32>
    %get3A_9 = arith.constant 0 : index
    %get3A_10 = arith.constant 0 : index
    %get3A_11 = vector.load %arg3[%get3A_9, %get3A_10] : memref<1000x128xf32, #tpu.memory_space<vmem>>, vector<1000x128xf32>
    %add3A_12 = arith.addf %add3A, %get3A_11 : vector<1000x128xf32>
    %get3A_13 = arith.constant 0 : index
    %get3A_14 = arith.constant 0 : index
    %get3A_15 = arith.constant 0 : index
    %get3A_16 = vector.load %arg1[%get3A_13, %get3A_14, %get3A_15] : memref<2x1000x128xf32, #tpu.memory_space<vmem>>, vector<1x1000x1xf32>
    %get3A_17 = vector.shape_cast %get3A_16 : vector<1x1000x1xf32> to vector<1000x1xf32>
    %get3A_18 = arith.constant 1 : index
    %get3A_19 = arith.constant 0 : index
    %get3A_20 = arith.constant 0 : index
    %get3A_21 = vector.load %arg1[%get3A_18, %get3A_19, %get3A_20] : memref<2x1000x128xf32, #tpu.memory_space<vmem>>, vector<1x1000x1xf32>
    %get3A_22 = vector.shape_cast %get3A_21 : vector<1x1000x1xf32> to vector<1000x1xf32>
    %add3A_23 = arith.addf %get3A_17, %get3A_22 : vector<1000x1xf32>
    %add3A_24 = arith.constant 1.000000e+00 : f32
    %add3A_25 = vector.broadcast %add3A_24 : f32 to vector<1000x1xf32>
    %add3A_26 = arith.addf %add3A_23, %add3A_25 : vector<1000x1xf32>
    %rsqrt3A = math.rsqrt %add3A_26 : vector<1000x1xf32>
    %mul3A = vector.broadcast %rsqrt3A : vector<1000x1xf32> to vector<1000x128xf32>
    %mul3A_27 = arith.mulf %add3A_12, %mul3A : vector<1000x128xf32>
    %get3A_28 = arith.constant 0 : index
    %get3A_29 = arith.constant 0 : index
    %get3A_30 = vector.load %arg4[%get3A_28, %get3A_29] : memref<1x128xf32, #tpu.memory_space<vmem>>, vector<1x128xf32>
    %add3A_31 = vector.broadcast %get3A_30 : vector<1x128xf32> to vector<1000x128xf32>
    %add3A_32 = arith.addf %mul3A_27, %add3A_31 : vector<1000x128xf32>
    %swap3A = arith.constant 0 : index
    %swap3A_33 = arith.constant 0 : index
    %swap3A_34 = vector.load %arg5[%swap3A, %swap3A_33] : memref<1000x128xf32, #tpu.memory_space<vmem>>, vector<1000x128xf32>
    tpu.vector_store %arg5[%swap3A, %swap3A_33], %add3A_32 {strides = array<i32>} : memref<1000x128xf32, #tpu.memory_space<vmem>>, vector<1000x128xf32>,
    return
  }
  func.func @transform_0(%arg0: i32) -> (i32, i32, i32) {
    %c0_i32 = arith.constant 0 : i32
    %c0_i32_0 = arith.constant 0 : i32
    %c0_i32_1 = arith.constant 0 : i32
    return %c0_i32, %arg0, %c0_i32_0 : i32, i32, i32
  }
  func.func @transform_1(%arg0: i32) -> (i32, i32, i32) {
    %c0_i32 = arith.constant 0 : i32
    %c0_i32_0 = arith.constant 0 : i32
    %c0_i32_1 = arith.constant 0 : i32
    return %c0_i32, %arg0, %c0_i32_0 : i32, i32, i32
  }
  func.func @transform_2(%arg0: i32) -> (i32, i32) {
    %c0_i32 = arith.constant 0 : i32
    %c0_i32_0 = arith.constant 0 : i32
    return %arg0, %c0_i32 : i32, i32
  }
  func.func @transform_3(%arg0: i32) -> (i32, i32) {
    %c0_i32 = arith.constant 0 : i32
    %c0_i32_0 = arith.constant 0 : i32
    %c0_i32_1 = arith.constant 0 : i32
    return %c0_i32, %c0_i32_0 : i32, i32
  }
  func.func @transform_4(%arg0: i32) -> (i32, i32) {
    %c0_i32 = arith.constant 0 : i32
    %c0_i32_0 = arith.constant 0 : i32
    return %arg0, %c0_i32 : i32, i32
  }
}

</mosaic_0001>

<sc_bundles>
// kernel: kernel.11.cloned.1.call-start
scs
__scs_entry_jumppad:
0x0: {  	(pc) =	sbr.rel $0x88, $3  }
0x1: {  	(tag) =	ssettag $0x0;
	lr =	simm.s32 $0x1  }
0x2: {  	[smem:$0x3F9B] =	sst lr;
	_ =	strace $0xD0000000  }
0x3: {  	_ = 	snop  }
0x4: {  	_ = 	snop  }
0x5: {  	_ = 	snop  }
0x6: {  	_ = 	snop  }
0x7: {  	_ = 	snop  }
__scs_overlays_trampoline_lowered:
0x8: {  	[smem:$0x3FAA] =	sst s0  }
0x9: {  	[smem:$0x3FAB] =	sst s1  }
0xa: {  	[smem:$0x3FAC] =	sst s2  }
0xb: {  	[smem:$0x3FAD] =	sst s3  }
0xc: {  	[smem:$0x3FAE] =	sst s4  }
0xd: {  	[smem:$0x3FAF] =	sst s5  }
0xe: {  	[smem:$0x3FB0] =	sst s6  }
0xf: {  	[smem:$0x3FB1] =	sst s7  }
0x10: {  	[smem:$0x3FB2] =	sst s8  }
0x11: {  	[smem:$0x3FB3] =	sst s9;
	s0 =	simm.s32 @!p0 $0x0  }
0x12: {  	s1 =	sld [smem:$0x3F99];
	s0 =	simm.s32 @p0 $0x1  }
0x13: {  	[smem:$0x3FB4] =	sst s0;
	s0 =	simm.s32 @!p1 $0x0  }
0x14: {  	s2 =	sld [smem:$0x3F98];
	s0 =	simm.s32 @p1 $0x1  }
0x15: {  	[smem:$0x3FB5] =	sst s0;
	s0 =	simm.s32 @!p2 $0x0  }
0x16: {  	s3 =	sld [smem:$0x3FDB];
	s0 =	simm.s32 @p2 $0x1  }
0x17: {  	s4 =	simm.s32 $0x1BF5;
	[smem:$0x3FB7] =	sst s0  }
0x18: {  	s0 =	sld [smem:$0x3F9A];
	_ =	swait.ge [sflag:s4], $0x0  }
0x19: {  	s7 =	sld [smem:$0x3F9B]  }
0x1a: {  	s8 =	sadd.s32 $0xFFFFE003, lr  }
0x1b: {  	s9 =	sadd.s32 $0xFFFFFEF7, lr;
	s5 =	simm.s32 $0xFFFFFFFF;
	p2 =	slt.u32 s8, $0xFFFFF086  }
0x1c: {  	p1 =	slt.u32 s9, $0xF7A;
	s5 =	simm.s32 @!p2 $0x0  }
0x1d: {  	s5 =	simm.s32 @p1 $0x1;
	p0 =	seq.s32 s7, s2  }
0x1e: {  	s7 =	smul.u32 @!p0 $0xF7A, s2;
	p2 =	seq.s32 @!p0 s5, $0x0  }
0x1f: {  	s9 =	smul.u32 $0xF7A, s1;
	s8 =	simm.s32 @!p0 $0x1BF5;
	p2 =	por !p2, p0  }
0x20: {  	[sflag:s8] =	ssyncset.s32 @!p0 $0xFFFFF086;
	s6 =	sadd.s32 @!p0 s3, s7;
	s7 =	simm.s32 @!p0 $0x108  }
0x21: {  	s3 =	sadd.s32 s3, s9;
	s6 =	sadd.s32 @!p0 $0x88, s6;
	s7 =	simm.s32 @p2 $0x1082  }
0x22: {  	[simem:s7], [sflag:s8] =	dma.local @!p0 [hbm:s6], $0xF7A  }
0x23: {  	s9 =	sor.u32 $0xD0000000, s2;
	s6 =	simm.s32 $0x108;
	_ =	swait.ge @!p0 [sflag:s8], $0x0  }
0x24: {  	s3 =	sadd.s32 $0x88, s3;
	s6 =	simm.s32 @!p1 $0x1082;
	[sflag:s4] =	ssyncset.s32 $0xFFFFF086  }
0x25: {  	[simem:s6], [sflag:s4] =	dma.local [hbm:s3], $0xF7A  }
0x26: {  	[smem:$0x3F9B] =	sst s1;
	(tag) =	ssettag s2;
	_ =	strace s9  }
0x27: {  	s1 =	sld [smem:$0x3FAB]  }
0x28: {  	s2 =	sld [smem:$0x3FAC]  }
0x29: {  	s4 =	sld [smem:$0x3FAE]  }
0x2a: {  	p0 =	seq.s32 s5, $0x0;
	s5 =	sld [smem:$0x3FAF]  }
0x2b: {  	s6 =	sld [smem:$0x3FB0]  }
0x2c: {  	s7 =	sld [smem:$0x3FB1]  }
0x2d: {  	s3 =	simm.s32 $0x108;
	s8 =	sld [smem:$0x3FB2]  }
0x2e: {  	s3 =	simm.s32 @!p0 $0x1082;
	s9 =	sld [smem:$0x3FB3]  }
0x2f: {  	lr =	sadd.s32 s0, s3;
	s0 =	sld [smem:$0x3FAA]  }
0x30: {  	s3 =	sld [smem:$0x3FAD]  }
0x31: {  	[smem:$0x3FB6] =	sst s10  }
0x32: {  	s10 =	sld [smem:$0x3FB4];
	_ =	sdelay $0x3  }
0x33: {  	p0 =	seq.s32 s10, $0x1;
	s10 =	sld [smem:$0x3FB6];
	_ =	sdelay $0x3  }
0x34: {  	[smem:$0x3FB6] =	sst s10  }
0x35: {  	s10 =	sld [smem:$0x3FB5];
	_ =	sdelay $0x3  }
0x36: {  	p1 =	seq.s32 s10, $0x1;
	s10 =	sld [smem:$0x3FB6];
	_ =	sdelay $0x3  }
0x37: {  	[smem:$0x3FB6] =	sst s10  }
0x38: {  	s10 =	sld [smem:$0x3FB7]  }
0x39: {  	_ = 	snop;
	(pc) =	sbr.ind lr, $3  }
0x3a: {  	_ = 	snop  }
0x3b: {  	_ = 	snop  }
0x3c: {  	p2 =	seq.s32 s10, $0x1;
	s10 =	sld [smem:$0x3FB6]  }
0x3d: {  	_ =	shalt  }
0x3e: {  	_ =	shalt  }
0x3f: {  	_ =	shalt  }
0x40: {  	_ =	shalt  }
0x41: {  	_ =	shalt  }
0x42: {  	_ =	shalt  }
0x43: {  	_ =	shalt  }
0x44: {  	_ =	shalt  }
0x45: {  	_ =	shalt  }
0x46: {  	_ =	shalt  }
0x47: {  	_ =	shalt  }
0x48: {  	_ =	shalt  }
0x49: {  	_ =	shalt  }
0x4a: {  	_ =	shalt  }
0x4b: {  	_ =	shalt  }
0x4c: {  	_ =	shalt  }
0x4d: {  	_ =	shalt  }
0x4e: {  	_ =	shalt  }
0x4f: {  	_ =	shalt  }
0x50: {  	_ =	shalt  }
0x51: {  	_ =	shalt  }
0x52: {  	_ =	shalt  }
0x53: {  	_ =	shalt  }
0x54: {  	_ =	shalt  }
0x55: {  	_ =	shalt  }
0x56: {  	_ =	shalt  }
0x57: {  	_ =	shalt  }
0x58: {  	_ =	shalt  }
0x59: {  	_ =	shalt  }
0x5a: {  	_ =	shalt  }
0x5b: {  	_ =	shalt  }
0x5c: {  	_ =	shalt  }
0x5d: {  	_ =	shalt  }
0x5e: {  	_ =	shalt  }
0x5f: {  	_ =	shalt  }
0x60: {  	_ =	shalt  }
0x61: {  	_ =	shalt  }
0x62: {  	_ =	shalt  }
0x63: {  	_ =	shalt  }
0x64: {  	_ =	shalt  }
0x65: {  	_ =	shalt  }
0x66: {  	_ =	shalt  }
0x67: {  	_ =	shalt  }
0x68: {  	_ =	shalt  }
0x69: {  	_ =	shalt  }
0x6a: {  	_ =	shalt  }
0x6b: {  	_ =	shalt  }
0x6c: {  	_ =	shalt  }
0x6d: {  	_ =	shalt  }
0x6e: {  	_ =	shalt  }
0x6f: {  	_ =	shalt  }
0x70: {  	_ =	shalt  }
0x71: {  	_ =	shalt  }
0x72: {  	_ =	shalt  }
0x73: {  	_ =	shalt  }
0x74: {  	_ =	shalt  }
0x75: {  	_ =	shalt  }
0x76: {  	_ =	shalt  }
0x77: {  	_ =	shalt  }
0x78: {  	_ =	shalt  }
0x79: {  	_ =	shalt  }
0x7a: {  	_ =	shalt  }
0x7b: {  	_ =	shalt  }
0x7c: {  	_ =	shalt  }
0x7d: {  	_ =	shalt  }
0x7e: {  	_ =	shalt  }
0x7f: {  	_ =	shalt  }
0x80: {  	_ =	shalt  }
0x81: {  	_ =	shalt  }
0x82: {  	_ =	shalt  }
0x83: {  	_ =	shalt  }
0x84: {  	_ =	shalt  }
0x85: {  	_ =	shalt  }
0x86: {  	_ =	shalt  }
0x87: {  	_ =	shalt  }
.Lfunc_end0:
.L_simem_size_0:
called_computation.1_lowered:
.L_overlay_start_0:
0x88: {  	s2 =	sld [smem:$0x3FD9]  }
0x89: {  	s3 =	sld [smem:$0x3FFE];
	_ =	sdelay $0x1  }
0x8a: {  	s1 =	srdreg.scid  }
0x8b: {  	s0 =	sand.u32 $0x1, s1  }
0x8c: {  	s17 =	sshll.u32 s0, $0xA;
	s2 =	sadd.s32 s3, s2  }
0x8d: {  	s2 =	sadd.s32 s2, s17  }
0x8e: {  	[smem:$0x3FC2] =	sst s2  }
0x8f: {  	_ = 	snop  }
0x90: {  	s2 =	sld [smem:$0x3FD0];
	(tm) =	ssettm $0x1  }
0x91: {  	s18 =	sld [smem:$0x3FFB];
	_ =	sdelay $0x3  }
0x92: {  	_ =	strace s18  }
0x93: {  	s3 =	sld [smem:$0x3FFC];
	_ =	sdelay $0x3  }
0x94: {  	_ =	strace s3  }
0x95: {  	s3 =	sld [smem:$0x3FFD];
	_ =	sdelay $0x3  }
0x96: {  	_ =	strace s3  }
0x97: {  	_ =	strace $0x8FFFFFFF  }
0x98: {  	s19 =	sld [smem:$0x3FDB];
	_ =	sdelay $0x1  }
0x99: {  	s4 =	simm.s32 $_scs_section_size  }
0x9a: {  	s5 =	simm.s32 $_size__tile_overlayer_lowered;
	s6 =	simm.s32 $_tile_overlayer_lowered  }
0x9b: {  	s22 =	simm.s32 $0x1BFF;
	s21 =	sshll.u32 s6, $0x1;
	s3 =	sadd.s32 s4, s19  }
0x9c: {  	s7 =	simm.s32 $0x0;
	s20 =	sshll.u32 s5, $0x1;
	s5 =	sadd.s32 s21, s3  }
0x9d: {  	[timem:s7], [sflag:s22] =	dma.local [hbm:s5], s20  }
0x9e: {  	_ =	swait.ge [sflag:s22], s20  }
0x9f: {  	s4 =	ssub.s32 $0x0, s20;
	[sflag:s22] =	ssyncset.done $0x0  }
0xa0: {  	[sflag:s22] =	ssyncadd.s32 s4;
	_ =	sdelay $0x1  }
0xa1: {  	s23 =	simm.s32 $0x1B8B  }
0xa2: {  	_ =	swait.ge [sflag:s23], $0x1  }
0xa3: {  	[sflag:s23] =	ssyncset.done $0x0  }
0xa4: {  	s25 =	simm.s32 $0x1B8E;
	s24 =	sld [smem:$0x3FFE];
	[sflag:s23] =	ssyncadd.s32 $0xFFFFFFFF  }
0xa5: {  	s26 =	simm.s32 $execute0_lowered;
	[smem:$0x3FD2] =	sst s25  }
0xa6: {  	s5 =	sshll.u32 s26, $0x1;
	_ =	strace $0x80000049;
	[dreg:$0x1] =	wrdreg $0xFFFFFFFF  }
0xa7: {  	s28 =	simm.s32 $_size_execute0_lowered;
	s3 =	sadd.s32 s3, s5;
	[dreg:$0x0] =	wrdreg $0x0  }
0xa8: {  	s5 =	sshll.u32 s28, $0x1;
	[dreg:$0x2] =	wrdreg s3  }
0xa9: {  	[dreg:$0x3] =	wrdreg s5  }
0xaa: {  	[dreg:$0x4] =	wrdreg $0xC0  }
0xab: {  	_ =	task [dreg:s7], $0x5FFFF  }
0xac: {  	[dreg:$0x1] =	wrdreg $0xFFFFFFFF  }
0xad: {  	[dreg:$0x0] =	wrdreg $0x60  }
0xae: {  	[dreg:$0x2] =	wrdreg s2  }
0xaf: {  	[dreg:$0x3] =	wrdreg s24  }
0xb0: {  	[dreg:$0x4] =	wrdreg $0x88000  }
0xb1: {  	[dreg:$0x5] =	wrdreg $0x9  }
0xb2: {  	_ =	task.clear_ibuf [dreg:s7], $0x6FFFF;
	_ =	strace $0x90000049  }
0xb3: {  	s29 =	simm.s32 $0x9;
	_ =	strace $0x8000004B  }
0xb4: {  	_ =	swait.ge [sflag:s29], $0x1  }
0xb5: {  	[sflag:s29] =	ssyncadd.s32 $0xFFFFFFFF  }
0xb6: {  	_ =	strace $0x9000004B  }
0xb7: {  	_ =	sfence  }
0xb8: {  	s30 =	sld [smem:$0x0];
	_ =	sdelay $0x2  }
0xb9: {  	s31 =	sshll.u32 s1, $0xD;
	s1 =	sshrl.u32 s1, $0x2  }
0xba: {  	s3 =	sand.u32 $0x4000, s31;
	s1 =	sadd.s32 s1, s30  }
0xbb: {  	s0 =	sor.u32 s3, s0;
	s1 =	sshll.u32 s1, $0x11  }
0xbc: {  	s0 =	sor.u32 s1, s0  }
0xbd: {  	s0 =	sadd.s32 $0x8F2B, s0  }
0xbe: {  	[sflag:s0] =	ssyncadd.remote.s32 $0x1  }
0xbf: {  	_ =	sfence.sel $0xFFFF  }
0xc0: {  	[dreg:$0x0] =	wrdreg $0xFFFFFFFF;
	(pc) =	sbr.abs _section_cstart, $3  }
0xc1: {  	[dreg:$0x1] =	wrdreg $0xFFFFFFFF  }
0xc2: {  	_ =	task.clear_ibuf [dreg:s7], $0x2FFFF;
	_ =	strace $0x9FFFFFFF  }
0xc3: {  	(tm) =	ssettm $0x7FFFFFFF  }
tec
execute0_lowered:
.L_overlay_start_1:
0x0: {  	(tag) =	ssettag $0x1  }
0x1: {  	s2 =	rddreg [dreg:$0x0]  }
0x2: {  	s5 =	rddreg [dreg:$0x1]  }
0x3: {  	s3 =	rddreg [dreg:$0x2];
	s1 =	stileid.u32  }
0x4: {  	s0 =	rddreg [dreg:$0x3];
	s7 =	smul.u32 $0x2800, s1  }
0x5: {  	s6 =	srdreg.scid;
	s4 =	simm.s32 $0x0;
	s10 =	smul.u32 $0x50000, s1  }
0x6: {  	s17 =	simm.s32 $0x2400;
	s18 =	simm.s32 $0x80;
	s29 =	smul.u32 $0x880, s1  }
0x7: {  	s19 =	simm.s32 $0x4800;
	s8 =	sand.u32 $0x1, s6;
	s31 =	smul.u32 $0x4400, s1  }
0x8: {  	[smem:$0x7FF] =	sst s4;
	s11 =	sadd.s32 $0x84E00, s5;
	s16 =	smul.u32 $0xC00, s1  }
0x9: {  	s12 =	sadd.s32 $0x2600, s5;
	s30 =	sshll.u32 s1, $0x6;
	s6 =	smul.u32 $0x28000, s8  }
0xa: {  	_ =	strace $0x8000004A;
	s9 =	ssub.s32 $0x2, s8;
	p0 =	seq.s32 s8, $0x1  }
0xb: {  	s26 =	sshrl.u32 s9, $0x1;
	s28 =	sshrl.u32 s10, $0x2;
	s10 =	sshrl.u32 s31, $0x3  }
0xc: {  	s8 =	sadd.s32 s12, s29;
	s16 =	sshrl.u32 s16, $0x3;
	s6 =	sadd.s32 s7, s6  }
0xd: {  	s7 =	sadd.s32 s7, s5;
	s14 =	ssub.s32 s9, s26;
	s15 =	sadd.s32 s28, s3  }
.Ltmp0:
0xe: {  	s10 =	sadd.s32 $0x480, s10;
	s16 =	sadd.s32 $0x8800, s16;
	(pc) =	sbr.rel .LBB2_1-.Ltmp0, $4  }
0xf: {  	s13 =	sadd.s32 s6, s5;
	s5 =	sadd.s32 $0xCE00, s7;
	s6 =	sor.u32 $0x1C01, s30  }
0x10: {  	s7 =	sadd.s32 s11, s29;
	s9 =	sadd.s32 s11, s10;
	s10 =	sadd.s32 s12, s10  }
0x11: {  	s11 =	sadd.s32 s11, s16;
	s12 =	sadd.s32 s12, s16;
	s14 =	smax.u32 s14, $0x1  }
0x12: {  	s15 =	sshrl.u32 s15, $0x3;
	s16 =	simm.s32 $0x1;
	s13 =	sadd.s32 $0x34E00, s13  }
.LBB2_9:
0x13: {  	s20 =	sshra.s32 s20, $0x2;
	[sflag:s16] =	ssyncadd.s32 $0xFFFFC000  }
0x14: {  	[tilespmem:s19], [sflag:$0x1] =	stream.indirect.gather [hbm4b:s2+s18], $0x80, s20, s18, $0xb8;
	[tilespmem:$0x1C800] =	vst v63  }
0x15: {  	_ =	swait.ge [sflag:s16], $0x4000  }
0x16: {  	[sflag:s16] =	ssyncset.done $0x0  }
0x17: {  	s20 =	sadd.s32 $0x2400, s20;
	[sflag:s16] =	ssyncadd.s32 $0xFFFFC000  }
0x18: {  	[spmem:s3] =	stream.indirect.scatter.add.f32 [tilespmem:s19], [sflag:$0x1], $0x80, s20, s18, $0xb8;
	[tilespmem:$0x1C800] =	vst v63  }
0x19: {  	_ =	swait.ge [sflag:s16], $0x4000  }
0x1a: {  	[sflag:s16] =	ssyncset.done $0x0  }
0x1b: {  	[sflag:s16] =	ssyncadd.s32 $0xFFFFC000  }
.LBB2_10:
0x1c: {  	s4 =	sadd.s32 $0x1, s4  }
0x1d: {  	p1 =	sne.s32 s4, s14  }
.Ltmp1:
0x1e: {  	[bflag:$0x0] =	sbarrier.arrive $0xFFFF;
	(pc) =	sbr.rel @!p1 .LBB2_11-.Ltmp1, $4  }
0x1f: {  	[hbm:s13], [sflag:s6] =	dma.local [spmem:s15], $0x2800  }
0x20: {  	_ =	swait.ge [sflag:s16], $0x2800  }
0x21: {  	[sflag:s16] =	ssyncset.done $0x0  }
0x22: {  	[sflag:s16] =	ssyncadd.s32 $0xFFFFD800  }
.LBB2_1:
.Ltmp2:
0x23: {  	(pc) =	sbr.rel @!p0 .LBB2_2-.Ltmp2, $4  }
0x24: {  	[spmem:s15], [sflag:s6] =	dma.local [hbm:s5], $0x2800  }
0x25: {  	_ =	swait.ge [sflag:s16], $0x2800  }
0x26: {  	[sflag:s16] =	ssyncset.done $0x0  }
0x27: {  	s20 =	simm.s32 $0x0;
	[sflag:s16] =	ssyncadd.s32 $0xFFFFD800  }
0x28: {  	[tilespmem:s20], [sflag:$0x1] =	stream.linear.gather [hbm4b:s11+s20], $0xC00, $0x38;
	[tilespmem:$0x1C800] =	vst v63  }
0x29: {  	_ =	swait.ge [sflag:s16], $0xC00  }
0x2a: {  	[sflag:s16] =	ssyncset.done $0x0  }
0x2b: {  	[sflag:s16] =	ssyncadd.s32 $0xFFFFF400  }
0x2c: {  	[tilespmem:s17], [sflag:$0x1] =	stream.linear.gather [hbm4b:s12+s20], $0xC00, $0x38;
	[tilespmem:$0x1C800] =	vst v63  }
0x2d: {  	_ =	swait.ge [sflag:s16], $0xC00  }
0x2e: {  	[sflag:s16] =	ssyncset.done $0x0  }
0x2f: {  	s30 =	simm.s32 $0x0;
	[sflag:s16] =	ssyncadd.s32 $0xFFFFF400  }
0x30: {  	[tilespmem:s19], [sflag:$0x1] =	stream.indirect.gather [hbm4b:s2+s18], $0x80, s30, s18, $0xb8;
	[tilespmem:$0x1C800] =	vst v63  }
0x31: {  	_ =	swait.ge [sflag:s16], $0x4000  }
0x32: {  	[sflag:s16] =	ssyncset.done $0x0  }
0x33: {  	s31 =	simm.s32 $0x2400;
	[sflag:s16] =	ssyncadd.s32 $0xFFFFC000  }
0x34: {  	[spmem:s3] =	stream.indirect.scatter.add.f32 [tilespmem:s19], [sflag:$0x1], $0x80, s31, s18, $0xb8;
	[tilespmem:$0x1C800] =	vst v63  }
0x35: {  	_ =	swait.ge [sflag:s16], $0x4000  }
0x36: {  	s21 =	simm.s32 $0x400;
	s20 =	simm.s32 $0x200;
	[sflag:s16] =	ssyncset.done $0x0  }
.LBB2_8:
0x37: {  	s22 =	sshra.s32 s20, $0x2  }
0x38: {  	[sflag:s16] =	ssyncadd.s32 $0xFFFFC000;
	s20 =	smov.u32 s21;
	s23 =	sadd.s32 $0x200, s21  }
0x39: {  	[tilespmem:s19], [sflag:$0x1] =	stream.indirect.gather [hbm4b:s2+s18], $0x80, s22, s18, $0xb8;
	[tilespmem:$0x1C800] =	vst v63  }
0x3a: {  	p1 =	sne.s32 s21, $0x2E00;
	_ =	swait.ge [sflag:s16], $0x4000  }
.Ltmp3:
0x3b: {  	[sflag:s16] =	ssyncset.done $0x0;
	(pc) =	sbr.rel @p1 .LBB2_8-.Ltmp3, $4  }
0x3c: {  	s21 =	sadd.s32 $0x2400, s22;
	[sflag:s16] =	ssyncadd.s32 $0xFFFFC000  }
0x3d: {  	[spmem:s3] =	stream.indirect.scatter.add.f32 [tilespmem:s19], [sflag:$0x1], $0x80, s21, s18, $0xb8;
	[tilespmem:$0x1C800] =	vst v63  }
0x3e: {  	_ =	swait.ge [sflag:s16], $0x4000  }
0x3f: {  	s21 =	smov.u32 s23;
	[sflag:s16] =	ssyncset.done $0x0  }
.Ltmp4:
0x40: {  	_ = 	snop;
	(pc) =	sbr.rel .LBB2_9-.Ltmp4, $1  }
0x41: {  	_ =	sdelay $0x3  }
.LBB2_2:
0x42: {  	[tilespmem:s20], [sflag:$0x1] =	stream.linear.gather [hbm4b:s7+s20], $0x2400, $0x38;
	[tilespmem:$0x1C800] =	vst v63  }
0x43: {  	_ =	swait.ge [sflag:s16], $0x2400  }
0x44: {  	[sflag:s16] =	ssyncset.done $0x0  }
0x45: {  	[sflag:s16] =	ssyncadd.s32 $0xFFFFDC00  }
0x46: {  	[tilespmem:s17], [sflag:$0x1] =	stream.linear.gather [hbm4b:s8+s20], $0x2400, $0x38;
	[tilespmem:$0x1C800] =	vst v63  }
0x47: {  	_ =	swait.ge [sflag:s16], $0x2400  }
0x48: {  	[sflag:s16] =	ssyncset.done $0x0  }
0x49: {  	s30 =	simm.s32 $0x0;
	[sflag:s16] =	ssyncadd.s32 $0xFFFFDC00  }
0x4a: {  	[tilespmem:s19], [sflag:$0x1] =	stream.indirect.gather [hbm4b:s2+s18], $0x80, s30, s18, $0xb8;
	[tilespmem:$0x1C800] =	vst v63  }
0x4b: {  	_ =	swait.ge [sflag:s16], $0x4000  }
0x4c: {  	[sflag:s16] =	ssyncset.done $0x0  }
0x4d: {  	s31 =	simm.s32 $0x2400;
	[sflag:s16] =	ssyncadd.s32 $0xFFFFC000  }
0x4e: {  	[spmem:s3] =	stream.indirect.scatter.add.f32 [tilespmem:s19], [sflag:$0x1], $0x80, s31, s18, $0xb8;
	[tilespmem:$0x1C800] =	vst v63  }
0x4f: {  	_ =	swait.ge [sflag:s16], $0x4000  }
0x50: {  	s21 =	simm.s32 $0x400;
	s20 =	simm.s32 $0x200;
	[sflag:s16] =	ssyncset.done $0x0  }
.LBB2_3:
0x51: {  	s22 =	sshra.s32 s20, $0x2  }
0x52: {  	[sflag:s16] =	ssyncadd.s32 $0xFFFFC000;
	s20 =	smov.u32 s21;
	s23 =	sadd.s32 $0x200, s21  }
0x53: {  	[tilespmem:s19], [sflag:$0x1] =	stream.indirect.gather [hbm4b:s2+s18], $0x80, s22, s18, $0xb8;
	[tilespmem:$0x1C800] =	vst v63  }
0x54: {  	p1 =	sne.s32 s21, $0x8E00;
	_ =	swait.ge [sflag:s16], $0x4000  }
.Ltmp5:
0x55: {  	[sflag:s16] =	ssyncset.done $0x0;
	(pc) =	sbr.rel @p1 .LBB2_3-.Ltmp5, $4  }
0x56: {  	s21 =	sadd.s32 $0x2400, s22;
	[sflag:s16] =	ssyncadd.s32 $0xFFFFC000  }
0x57: {  	[spmem:s3] =	stream.indirect.scatter.add.f32 [tilespmem:s19], [sflag:$0x1], $0x80, s21, s18, $0xb8;
	[tilespmem:$0x1C800] =	vst v63  }
0x58: {  	_ =	swait.ge [sflag:s16], $0x4000  }
0x59: {  	s21 =	smov.u32 s23;
	[sflag:s16] =	ssyncset.done $0x0  }
0x5a: {  	s20 =	sshra.s32 s20, $0x2;
	[sflag:s16] =	ssyncadd.s32 $0xFFFFC000  }
0x5b: {  	[tilespmem:s19], [sflag:$0x1] =	stream.indirect.gather [hbm4b:s2+s18], $0x80, s20, s18, $0xb8;
	[tilespmem:$0x1C800] =	vst v63  }
0x5c: {  	_ =	swait.ge [sflag:s16], $0x4000  }
0x5d: {  	[sflag:s16] =	ssyncset.done $0x0  }
0x5e: {  	s20 =	sadd.s32 $0x2400, s20;
	[sflag:s16] =	ssyncadd.s32 $0xFFFFC000  }
0x5f: {  	[spmem:s3] =	stream.indirect.scatter.add.f32 [tilespmem:s19], [sflag:$0x1], $0x80, s20, s18, $0xb8;
	[tilespmem:$0x1C800] =	vst v63  }
0x60: {  	_ =	swait.ge [sflag:s16], $0x4000  }
0x61: {  	[sflag:s16] =	ssyncset.done $0x0  }
0x62: {  	s29 =	simm.s32 $0x0;
	[sflag:s16] =	ssyncadd.s32 $0xFFFFC000  }
0x63: {  	[tilespmem:s29], [sflag:$0x1] =	stream.linear.gather [hbm4b:s9+s29], $0x2000, $0x38;
	[tilespmem:$0x1C800] =	vst v63  }
0x64: {  	_ =	swait.ge [sflag:s16], $0x2000  }
0x65: {  	[sflag:s16] =	ssyncset.done $0x0  }
0x66: {  	[sflag:s16] =	ssyncadd.s32 $0xFFFFE000  }
0x67: {  	[tilespmem:s17], [sflag:$0x1] =	stream.linear.gather [hbm4b:s10+s29], $0x2000, $0x38;
	[tilespmem:$0x1C800] =	vst v63  }
0x68: {  	_ =	swait.ge [sflag:s16], $0x2000  }
0x69: {  	[sflag:s16] =	ssyncset.done $0x0  }
0x6a: {  	s30 =	simm.s32 $0x0;
	[sflag:s16] =	ssyncadd.s32 $0xFFFFE000  }
0x6b: {  	[tilespmem:s19], [sflag:$0x1] =	stream.indirect.gather [hbm4b:s2+s18], $0x80, s30, s18, $0xb8;
	[tilespmem:$0x1C800] =	vst v63  }
0x6c: {  	_ =	swait.ge [sflag:s16], $0x4000  }
0x6d: {  	[sflag:s16] =	ssyncset.done $0x0  }
0x6e: {  	s31 =	simm.s32 $0x2400;
	[sflag:s16] =	ssyncadd.s32 $0xFFFFC000  }
0x6f: {  	[spmem:s3] =	stream.indirect.scatter.add.f32 [tilespmem:s19], [sflag:$0x1], $0x80, s31, s18, $0xb8;
	[tilespmem:$0x1C800] =	vst v63  }
0x70: {  	_ =	swait.ge [sflag:s16], $0x4000  }
0x71: {  	s21 =	simm.s32 $0x400;
	s20 =	simm.s32 $0x200;
	[sflag:s16] =	ssyncset.done $0x0  }
.LBB2_5:
0x72: {  	s22 =	sshra.s32 s20, $0x2  }
0x73: {  	[sflag:s16] =	ssyncadd.s32 $0xFFFFC000;
	s20 =	smov.u32 s21;
	s23 =	sadd.s32 $0x200, s21  }
0x74: {  	[tilespmem:s19], [sflag:$0x1] =	stream.indirect.gather [hbm4b:s2+s18], $0x80, s22, s18, $0xb8;
	[tilespmem:$0x1C800] =	vst v63  }
0x75: {  	p1 =	seq.s32 s21, $0x7E00;
	_ =	swait.ge [sflag:s16], $0x4000  }
.Ltmp6:
0x76: {  	[sflag:s16] =	ssyncset.done $0x0;
	(pc) =	sbr.rel @!p1 .LBB2_5-.Ltmp6, $4  }
0x77: {  	s21 =	sadd.s32 $0x2400, s22;
	[sflag:s16] =	ssyncadd.s32 $0xFFFFC000  }
0x78: {  	[spmem:s3] =	stream.indirect.scatter.add.f32 [tilespmem:s19], [sflag:$0x1], $0x80, s21, s18, $0xb8;
	[tilespmem:$0x1C800] =	vst v63  }
0x79: {  	_ =	swait.ge [sflag:s16], $0x4000  }
0x7a: {  	s21 =	smov.u32 s23;
	[sflag:s16] =	ssyncset.done $0x0  }
0x7b: {  	s20 =	sshra.s32 s20, $0x2;
	[sflag:s16] =	ssyncadd.s32 $0xFFFFC000  }
0x7c: {  	[tilespmem:s19], [sflag:$0x1] =	stream.indirect.gather [hbm4b:s2+s18], $0x80, s20, s18, $0xb8;
	[tilespmem:$0x1C800] =	vst v63  }
0x7d: {  	_ =	swait.ge [sflag:s16], $0x4000  }
0x7e: {  	[sflag:s16] =	ssyncset.done $0x0  }
.Ltmp7:
0x7f: {  	s20 =	sadd.s32 $0x2400, s20;
	[sflag:s16] =	ssyncadd.s32 $0xFFFFC000;
	(pc) =	sbr.rel .LBB2_10-.Ltmp7, $4  }
0x80: {  	[spmem:s3] =	stream.indirect.scatter.add.f32 [tilespmem:s19], [sflag:$0x1], $0x80, s20, s18, $0xb8;
	[tilespmem:$0x1C800] =	vst v63  }
0x81: {  	_ =	swait.ge [sflag:s16], $0x4000  }
0x82: {  	[sflag:s16] =	ssyncset.done $0x0  }
0x83: {  	[sflag:s16] =	ssyncadd.s32 $0xFFFFC000  }
.LBB2_11:
0x84: {  	_ =	sfence.sel $0x180000  }
0x85: {  	[bflag:$0x0] =	sbarrier.arrive $0xFFFF  }
0x86: {  	p0 =	sne.s32 s1, $0x0;
	_ =	strace $0x9000004A  }
0x87: {  	s0 =	sadd.s32 @!p0 $0x100000, s0;
	[bflag:$0x2] =	sbarrier.arrive $0xFFFF  }
0x88: {  	[sflag:s0] =	ssyncadd.tile.s32 @!p0 $0x1;
	_ =	shalt  }
.Lfunc_end2:
_tile_overlayer_lowered:
.L_overlay_start_2:
0x89: {  	(tag) =	ssettag $0x2  }
0x8a: {  	s0 =	rddreg [dreg:$0x0];
	s2 =	stileid.u32  }
0x8b: {  	s1 =	rddreg [dreg:$0x1];
	p0 =	sne.s32 s2, $0x0  }
0x8c: {  	s3 =	rddreg [dreg:$0x2];
	[bflag:$0x3] =	sbarrier.arrive $0xFFFF;
	s2 =	simm.s32 @!p0 $0x1C01  }
0x8d: {  	[timem:s3], [sflag:s2] =	dma.local @!p0 [hbm:s0], s1  }
0x8e: {  	s0 =	simm.s32 @!p0 $0x1  }
0x8f: {  	_ =	swait.ge @!p0 [sflag:s0], s1  }
0x90: {  	s1 =	ssub.s32 @!p0 $0x0, s1;
	[sflag:s0] =	ssyncset.done @!p0 $0x0  }
0x91: {  	[sflag:s0] =	ssyncadd.s32 @!p0 s1  }
0x92: {  	[bflag:$0x3] =	sbarrier.arrive $0xFFFF  }
0x93: {  	_ =	shalt  }

// kernel: kernel.14.cloned.1.call-start
scs
__scs_entry_jumppad:
0x0: {  	(pc) =	sbr.rel $0x88, $3  }
0x1: {  	(tag) =	ssettag $0x0;
	lr =	simm.s32 $0x1  }
0x2: {  	[smem:$0x3F9B] =	sst lr;
	_ =	strace $0xD0000000  }
0x3: {  	_ = 	snop  }
0x4: {  	_ = 	snop  }
0x5: {  	_ = 	snop  }
0x6: {  	_ = 	snop  }
0x7: {  	_ = 	snop  }
__scs_overlays_trampoline_lowered:
0x8: {  	[smem:$0x3FAA] =	sst s0  }
0x9: {  	[smem:$0x3FAB] =	sst s1  }
0xa: {  	[smem:$0x3FAC] =	sst s2  }
0xb: {  	[smem:$0x3FAD] =	sst s3  }
0xc: {  	[smem:$0x3FAE] =	sst s4  }
0xd: {  	[smem:$0x3FAF] =	sst s5  }
0xe: {  	[smem:$0x3FB0] =	sst s6  }
0xf: {  	[smem:$0x3FB1] =	sst s7  }
0x10: {  	[smem:$0x3FB2] =	sst s8  }
0x11: {  	[smem:$0x3FB3] =	sst s9;
	s0 =	simm.s32 @!p0 $0x0  }
0x12: {  	s1 =	sld [smem:$0x3F99];
	s0 =	simm.s32 @p0 $0x1  }
0x13: {  	[smem:$0x3FB4] =	sst s0;
	s0 =	simm.s32 @!p1 $0x0  }
0x14: {  	s2 =	sld [smem:$0x3F98];
	s0 =	simm.s32 @p1 $0x1  }
0x15: {  	[smem:$0x3FB5] =	sst s0;
	s0 =	simm.s32 @!p2 $0x0  }
0x16: {  	s3 =	sld [smem:$0x3FDB];
	s0 =	simm.s32 @p2 $0x1  }
0x17: {  	s4 =	simm.s32 $0x1BF5;
	[smem:$0x3FB7] =	sst s0  }
0x18: {  	s0 =	sld [smem:$0x3F9A];
	_ =	swait.ge [sflag:s4], $0x0  }
0x19: {  	s7 =	sld [smem:$0x3F9B]  }
0x1a: {  	s8 =	sadd.s32 $0xFFFFE003, lr  }
0x1b: {  	s9 =	sadd.s32 $0xFFFFFEF7, lr;
	s5 =	simm.s32 $0xFFFFFFFF;
	p2 =	slt.u32 s8, $0xFFFFF086  }
0x1c: {  	p1 =	slt.u32 s9, $0xF7A;
	s5 =	simm.s32 @!p2 $0x0  }
0x1d: {  	s5 =	simm.s32 @p1 $0x1;
	p0 =	seq.s32 s7, s2  }
0x1e: {  	s7 =	smul.u32 @!p0 $0xF7A, s2;
	p2 =	seq.s32 @!p0 s5, $0x0  }
0x1f: {  	s9 =	smul.u32 $0xF7A, s1;
	s8 =	simm.s32 @!p0 $0x1BF5;
	p2 =	por !p2, p0  }
0x20: {  	[sflag:s8] =	ssyncset.s32 @!p0 $0xFFFFF086;
	s6 =	sadd.s32 @!p0 s3, s7;
	s7 =	simm.s32 @!p0 $0x108  }
0x21: {  	s3 =	sadd.s32 s3, s9;
	s6 =	sadd.s32 @!p0 $0x88, s6;
	s7 =	simm.s32 @p2 $0x1082  }
0x22: {  	[simem:s7], [sflag:s8] =	dma.local @!p0 [hbm:s6], $0xF7A  }
0x23: {  	s9 =	sor.u32 $0xD0000000, s2;
	s6 =	simm.s32 $0x108;
	_ =	swait.ge @!p0 [sflag:s8], $0x0  }
0x24: {  	s3 =	sadd.s32 $0x88, s3;
	s6 =	simm.s32 @!p1 $0x1082;
	[sflag:s4] =	ssyncset.s32 $0xFFFFF086  }
0x25: {  	[simem:s6], [sflag:s4] =	dma.local [hbm:s3], $0xF7A  }
0x26: {  	[smem:$0x3F9B] =	sst s1;
	(tag) =	ssettag s2;
	_ =	strace s9  }
0x27: {  	s1 =	sld [smem:$0x3FAB]  }
0x28: {  	s2 =	sld [smem:$0x3FAC]  }
0x29: {  	s4 =	sld [smem:$0x3FAE]  }
0x2a: {  	p0 =	seq.s32 s5, $0x0;
	s5 =	sld [smem:$0x3FAF]  }
0x2b: {  	s6 =	sld [smem:$0x3FB0]  }
0x2c: {  	s7 =	sld [smem:$0x3FB1]  }
0x2d: {  	s3 =	simm.s32 $0x108;
	s8 =	sld [smem:$0x3FB2]  }
0x2e: {  	s3 =	simm.s32 @!p0 $0x1082;
	s9 =	sld [smem:$0x3FB3]  }
0x2f: {  	lr =	sadd.s32 s0, s3;
	s0 =	sld [smem:$0x3FAA]  }
0x30: {  	s3 =	sld [smem:$0x3FAD]  }
0x31: {  	[smem:$0x3FB6] =	sst s10  }
0x32: {  	s10 =	sld [smem:$0x3FB4];
	_ =	sdelay $0x3  }
0x33: {  	p0 =	seq.s32 s10, $0x1;
	s10 =	sld [smem:$0x3FB6];
	_ =	sdelay $0x3  }
0x34: {  	[smem:$0x3FB6] =	sst s10  }
0x35: {  	s10 =	sld [smem:$0x3FB5];
	_ =	sdelay $0x3  }
0x36: {  	p1 =	seq.s32 s10, $0x1;
	s10 =	sld [smem:$0x3FB6];
	_ =	sdelay $0x3  }
0x37: {  	[smem:$0x3FB6] =	sst s10  }
0x38: {  	s10 =	sld [smem:$0x3FB7]  }
0x39: {  	_ = 	snop;
	(pc) =	sbr.ind lr, $3  }
0x3a: {  	_ = 	snop  }
0x3b: {  	_ = 	snop  }
0x3c: {  	p2 =	seq.s32 s10, $0x1;
	s10 =	sld [smem:$0x3FB6]  }
0x3d: {  	_ =	shalt  }
0x3e: {  	_ =	shalt  }
0x3f: {  	_ =	shalt  }
0x40: {  	_ =	shalt  }
0x41: {  	_ =	shalt  }
0x42: {  	_ =	shalt  }
0x43: {  	_ =	shalt  }
0x44: {  	_ =	shalt  }
0x45: {  	_ =	shalt  }
0x46: {  	_ =	shalt  }
0x47: {  	_ =	shalt  }
0x48: {  	_ =	shalt  }
0x49: {  	_ =	shalt  }
0x4a: {  	_ =	shalt  }
0x4b: {  	_ =	shalt  }
0x4c: {  	_ =	shalt  }
0x4d: {  	_ =	shalt  }
0x4e: {  	_ =	shalt  }
0x4f: {  	_ =	shalt  }
0x50: {  	_ =	shalt  }
0x51: {  	_ =	shalt  }
0x52: {  	_ =	shalt  }
0x53: {  	_ =	shalt  }
0x54: {  	_ =	shalt  }
0x55: {  	_ =	shalt  }
0x56: {  	_ =	shalt  }
0x57: {  	_ =	shalt  }
0x58: {  	_ =	shalt  }
0x59: {  	_ =	shalt  }
0x5a: {  	_ =	shalt  }
0x5b: {  	_ =	shalt  }
0x5c: {  	_ =	shalt  }
0x5d: {  	_ =	shalt  }
0x5e: {  	_ =	shalt  }
0x5f: {  	_ =	shalt  }
0x60: {  	_ =	shalt  }
0x61: {  	_ =	shalt  }
0x62: {  	_ =	shalt  }
0x63: {  	_ =	shalt  }
0x64: {  	_ =	shalt  }
0x65: {  	_ =	shalt  }
0x66: {  	_ =	shalt  }
0x67: {  	_ =	shalt  }
0x68: {  	_ =	shalt  }
0x69: {  	_ =	shalt  }
0x6a: {  	_ =	shalt  }
0x6b: {  	_ =	shalt  }
0x6c: {  	_ =	shalt  }
0x6d: {  	_ =	shalt  }
0x6e: {  	_ =	shalt  }
0x6f: {  	_ =	shalt  }
0x70: {  	_ =	shalt  }
0x71: {  	_ =	shalt  }
0x72: {  	_ =	shalt  }
0x73: {  	_ =	shalt  }
0x74: {  	_ =	shalt  }
0x75: {  	_ =	shalt  }
0x76: {  	_ =	shalt  }
0x77: {  	_ =	shalt  }
0x78: {  	_ =	shalt  }
0x79: {  	_ =	shalt  }
0x7a: {  	_ =	shalt  }
0x7b: {  	_ =	shalt  }
0x7c: {  	_ =	shalt  }
0x7d: {  	_ =	shalt  }
0x7e: {  	_ =	shalt  }
0x7f: {  	_ =	shalt  }
0x80: {  	_ =	shalt  }
0x81: {  	_ =	shalt  }
0x82: {  	_ =	shalt  }
0x83: {  	_ =	shalt  }
0x84: {  	_ =	shalt  }
0x85: {  	_ =	shalt  }
0x86: {  	_ =	shalt  }
0x87: {  	_ =	shalt  }
.Lfunc_end0:
.L_simem_size_0:
called_computation.2_lowered:
.L_overlay_start_0:
0x88: {  	s2 =	sld [smem:$0x3FD9]  }
0x89: {  	s3 =	sld [smem:$0x3FFE];
	_ =	sdelay $0x1  }
0x8a: {  	s1 =	srdreg.scid  }
0x8b: {  	s0 =	sand.u32 $0x1, s1  }
0x8c: {  	s17 =	sshll.u32 s0, $0xA;
	s2 =	sadd.s32 s3, s2  }
0x8d: {  	s2 =	sadd.s32 s2, s17  }
0x8e: {  	[smem:$0x3FC2] =	sst s2  }
0x8f: {  	_ = 	snop  }
0x90: {  	s2 =	sld [smem:$0x3FD0];
	(tm) =	ssettm $0x1  }
0x91: {  	s18 =	sld [smem:$0x3FFB];
	_ =	sdelay $0x3  }
0x92: {  	_ =	strace s18  }
0x93: {  	s3 =	sld [smem:$0x3FFC];
	_ =	sdelay $0x3  }
0x94: {  	_ =	strace s3  }
0x95: {  	s3 =	sld [smem:$0x3FFD];
	_ =	sdelay $0x3  }
0x96: {  	_ =	strace s3  }
0x97: {  	_ =	strace $0x8FFFFFFF  }
0x98: {  	s19 =	sld [smem:$0x3FDB];
	_ =	sdelay $0x1  }
0x99: {  	s4 =	simm.s32 $_scs_section_size  }
0x9a: {  	s5 =	simm.s32 $_size__tile_overlayer_lowered;
	s6 =	simm.s32 $_tile_overlayer_lowered  }
0x9b: {  	s22 =	simm.s32 $0x1BFF;
	s21 =	sshll.u32 s6, $0x1;
	s3 =	sadd.s32 s4, s19  }
0x9c: {  	s7 =	simm.s32 $0x0;
	s20 =	sshll.u32 s5, $0x1;
	s5 =	sadd.s32 s21, s3  }
0x9d: {  	[timem:s7], [sflag:s22] =	dma.local [hbm:s5], s20  }
0x9e: {  	_ =	swait.ge [sflag:s22], s20  }
0x9f: {  	s4 =	ssub.s32 $0x0, s20;
	[sflag:s22] =	ssyncset.done $0x0  }
0xa0: {  	[sflag:s22] =	ssyncadd.s32 s4;
	_ =	sdelay $0x1  }
0xa1: {  	s23 =	simm.s32 $0x1B8B  }
0xa2: {  	_ =	swait.ge [sflag:s23], $0x1  }
0xa3: {  	[sflag:s23] =	ssyncset.done $0x0  }
0xa4: {  	s25 =	simm.s32 $0x1B8E;
	s24 =	sld [smem:$0x3FFE];
	[sflag:s23] =	ssyncadd.s32 $0xFFFFFFFF  }
0xa5: {  	s26 =	simm.s32 $execute0_lowered;
	[smem:$0x3FD2] =	sst s25  }
0xa6: {  	s5 =	sshll.u32 s26, $0x1;
	_ =	strace $0x8000004C;
	[dreg:$0x1] =	wrdreg $0xFFFFFFFF  }
0xa7: {  	s28 =	simm.s32 $_size_execute0_lowered;
	s3 =	sadd.s32 s3, s5;
	[dreg:$0x0] =	wrdreg $0x0  }
0xa8: {  	s5 =	sshll.u32 s28, $0x1;
	[dreg:$0x2] =	wrdreg s3  }
0xa9: {  	[dreg:$0x3] =	wrdreg s5  }
0xaa: {  	[dreg:$0x4] =	wrdreg $0xC0  }
0xab: {  	_ =	task [dreg:s7], $0x5FFFF  }
0xac: {  	[dreg:$0x1] =	wrdreg $0xFFFFFFFF  }
0xad: {  	[dreg:$0x0] =	wrdreg $0x60  }
0xae: {  	[dreg:$0x2] =	wrdreg s2  }
0xaf: {  	[dreg:$0x3] =	wrdreg s24  }
0xb0: {  	[dreg:$0x4] =	wrdreg $0x88000  }
0xb1: {  	[dreg:$0x5] =	wrdreg $0x9  }
0xb2: {  	_ =	task.clear_ibuf [dreg:s7], $0x6FFFF;
	_ =	strace $0x9000004C  }
0xb3: {  	s29 =	simm.s32 $0x9;
	_ =	strace $0x8000004E  }
0xb4: {  	_ =	swait.ge [sflag:s29], $0x1  }
0xb5: {  	[sflag:s29] =	ssyncadd.s32 $0xFFFFFFFF  }
0xb6: {  	_ =	strace $0x9000004E  }
0xb7: {  	_ =	sfence  }
0xb8: {  	s30 =	sld [smem:$0x0];
	_ =	sdelay $0x2  }
0xb9: {  	s31 =	sshll.u32 s1, $0xD;
	s1 =	sshrl.u32 s1, $0x2  }
0xba: {  	s3 =	sand.u32 $0x4000, s31;
	s1 =	sadd.s32 s1, s30  }
0xbb: {  	s0 =	sor.u32 s3, s0;
	s1 =	sshll.u32 s1, $0x11  }
0xbc: {  	s0 =	sor.u32 s1, s0  }
0xbd: {  	s0 =	sadd.s32 $0x8F2B, s0  }
0xbe: {  	[sflag:s0] =	ssyncadd.remote.s32 $0x1  }
0xbf: {  	_ =	sfence.sel $0xFFFF  }
0xc0: {  	[dreg:$0x0] =	wrdreg $0xFFFFFFFF;
	(pc) =	sbr.abs _section_cstart, $3  }
0xc1: {  	[dreg:$0x1] =	wrdreg $0xFFFFFFFF  }
0xc2: {  	_ =	task.clear_ibuf [dreg:s7], $0x2FFFF;
	_ =	strace $0x9FFFFFFF  }
0xc3: {  	(tm) =	ssettm $0x7FFFFFFF  }
tec
execute0_lowered:
.L_overlay_start_1:
0x0: {  	(tag) =	ssettag $0x1  }
0x1: {  	s2 =	rddreg [dreg:$0x0]  }
0x2: {  	s5 =	rddreg [dreg:$0x1]  }
0x3: {  	s3 =	rddreg [dreg:$0x2];
	s1 =	stileid.u32  }
0x4: {  	s0 =	rddreg [dreg:$0x3];
	s7 =	smul.u32 $0x2800, s1  }
0x5: {  	s6 =	srdreg.scid;
	s4 =	simm.s32 $0x0;
	s10 =	smul.u32 $0x50000, s1  }
0x6: {  	s17 =	simm.s32 $0x2400;
	s18 =	simm.s32 $0x80;
	s29 =	smul.u32 $0x880, s1  }
0x7: {  	s19 =	simm.s32 $0x4800;
	s8 =	sand.u32 $0x1, s6;
	s31 =	smul.u32 $0x4400, s1  }
0x8: {  	[smem:$0x7FF] =	sst s4;
	s11 =	sadd.s32 $0x84E00, s5;
	s16 =	smul.u32 $0xC00, s1  }
0x9: {  	s12 =	sadd.s32 $0x2600, s5;
	s30 =	sshll.u32 s1, $0x6;
	s6 =	smul.u32 $0x28000, s8  }
0xa: {  	_ =	strace $0x8000004D;
	s9 =	ssub.s32 $0x2, s8;
	p0 =	seq.s32 s8, $0x1  }
0xb: {  	s26 =	sshrl.u32 s9, $0x1;
	s28 =	sshrl.u32 s10, $0x2;
	s10 =	sshrl.u32 s31, $0x3  }
0xc: {  	s8 =	sadd.s32 s12, s29;
	s16 =	sshrl.u32 s16, $0x3;
	s6 =	sadd.s32 s7, s6  }
0xd: {  	s7 =	sadd.s32 s7, s5;
	s14 =	ssub.s32 s9, s26;
	s15 =	sadd.s32 s28, s3  }
.Ltmp0:
0xe: {  	s10 =	sadd.s32 $0x480, s10;
	s16 =	sadd.s32 $0x8800, s16;
	(pc) =	sbr.rel .LBB2_1-.Ltmp0, $4  }
0xf: {  	s13 =	sadd.s32 s6, s5;
	s5 =	sadd.s32 $0xCE00, s7;
	s6 =	sor.u32 $0x1C01, s30  }
0x10: {  	s7 =	sadd.s32 s11, s29;
	s9 =	sadd.s32 s11, s10;
	s10 =	sadd.s32 s12, s10  }
0x11: {  	s11 =	sadd.s32 s11, s16;
	s12 =	sadd.s32 s12, s16;
	s14 =	smax.u32 s14, $0x1  }
0x12: {  	s15 =	sshrl.u32 s15, $0x3;
	s16 =	simm.s32 $0x1;
	s13 =	sadd.s32 $0x34E00, s13  }
.LBB2_9:
0x13: {  	s20 =	sshra.s32 s20, $0x2;
	[sflag:s16] =	ssyncadd.s32 $0xFFFFC000  }
0x14: {  	[tilespmem:s19], [sflag:$0x1] =	stream.indirect.gather [hbm4b:s2+s18], $0x80, s20, s18, $0xb8;
	[tilespmem:$0x1C800] =	vst v63  }
0x15: {  	_ =	swait.ge [sflag:s16], $0x4000  }
0x16: {  	[sflag:s16] =	ssyncset.done $0x0  }
0x17: {  	s20 =	sadd.s32 $0x2400, s20;
	[sflag:s16] =	ssyncadd.s32 $0xFFFFC000  }
0x18: {  	[spmem:s3] =	stream.indirect.scatter.add.f32 [tilespmem:s19], [sflag:$0x1], $0x80, s20, s18, $0xb8;
	[tilespmem:$0x1C800] =	vst v63  }
0x19: {  	_ =	swait.ge [sflag:s16], $0x4000  }
0x1a: {  	[sflag:s16] =	ssyncset.done $0x0  }
0x1b: {  	[sflag:s16] =	ssyncadd.s32 $0xFFFFC000  }
.LBB2_10:
0x1c: {  	s4 =	sadd.s32 $0x1, s4  }
0x1d: {  	p1 =	sne.s32 s4, s14  }
.Ltmp1:
0x1e: {  	[bflag:$0x0] =	sbarrier.arrive $0xFFFF;
	(pc) =	sbr.rel @!p1 .LBB2_11-.Ltmp1, $4  }
0x1f: {  	[hbm:s13], [sflag:s6] =	dma.local [spmem:s15], $0x2800  }
0x20: {  	_ =	swait.ge [sflag:s16], $0x2800  }
0x21: {  	[sflag:s16] =	ssyncset.done $0x0  }
0x22: {  	[sflag:s16] =	ssyncadd.s32 $0xFFFFD800  }
.LBB2_1:
.Ltmp2:
0x23: {  	(pc) =	sbr.rel @!p0 .LBB2_2-.Ltmp2, $4  }
0x24: {  	[spmem:s15], [sflag:s6] =	dma.local [hbm:s5], $0x2800  }
0x25: {  	_ =	swait.ge [sflag:s16], $0x2800  }
0x26: {  	[sflag:s16] =	ssyncset.done $0x0  }
0x27: {  	s20 =	simm.s32 $0x0;
	[sflag:s16] =	ssyncadd.s32 $0xFFFFD800  }
0x28: {  	[tilespmem:s20], [sflag:$0x1] =	stream.linear.gather [hbm4b:s11+s20], $0xC00, $0x38;
	[tilespmem:$0x1C800] =	vst v63  }
0x29: {  	_ =	swait.ge [sflag:s16], $0xC00  }
0x2a: {  	[sflag:s16] =	ssyncset.done $0x0  }
0x2b: {  	[sflag:s16] =	ssyncadd.s32 $0xFFFFF400  }
0x2c: {  	[tilespmem:s17], [sflag:$0x1] =	stream.linear.gather [hbm4b:s12+s20], $0xC00, $0x38;
	[tilespmem:$0x1C800] =	vst v63  }
0x2d: {  	_ =	swait.ge [sflag:s16], $0xC00  }
0x2e: {  	[sflag:s16] =	ssyncset.done $0x0  }
0x2f: {  	s30 =	simm.s32 $0x0;
	[sflag:s16] =	ssyncadd.s32 $0xFFFFF400  }
0x30: {  	[tilespmem:s19], [sflag:$0x1] =	stream.indirect.gather [hbm4b:s2+s18], $0x80, s30, s18, $0xb8;
	[tilespmem:$0x1C800] =	vst v63  }
0x31: {  	_ =	swait.ge [sflag:s16], $0x4000  }
0x32: {  	[sflag:s16] =	ssyncset.done $0x0  }
0x33: {  	s31 =	simm.s32 $0x2400;
	[sflag:s16] =	ssyncadd.s32 $0xFFFFC000  }
0x34: {  	[spmem:s3] =	stream.indirect.scatter.add.f32 [tilespmem:s19], [sflag:$0x1], $0x80, s31, s18, $0xb8;
	[tilespmem:$0x1C800] =	vst v63  }
0x35: {  	_ =	swait.ge [sflag:s16], $0x4000  }
0x36: {  	s21 =	simm.s32 $0x400;
	s20 =	simm.s32 $0x200;
	[sflag:s16] =	ssyncset.done $0x0  }
.LBB2_8:
0x37: {  	s22 =	sshra.s32 s20, $0x2  }
0x38: {  	[sflag:s16] =	ssyncadd.s32 $0xFFFFC000;
	s20 =	smov.u32 s21;
	s23 =	sadd.s32 $0x200, s21  }
0x39: {  	[tilespmem:s19], [sflag:$0x1] =	stream.indirect.gather [hbm4b:s2+s18], $0x80, s22, s18, $0xb8;
	[tilespmem:$0x1C800] =	vst v63  }
0x3a: {  	p1 =	sne.s32 s21, $0x2E00;
	_ =	swait.ge [sflag:s16], $0x4000  }
.Ltmp3:
0x3b: {  	[sflag:s16] =	ssyncset.done $0x0;
	(pc) =	sbr.rel @p1 .LBB2_8-.Ltmp3, $4  }
0x3c: {  	s21 =	sadd.s32 $0x2400, s22;
	[sflag:s16] =	ssyncadd.s32 $0xFFFFC000  }
0x3d: {  	[spmem:s3] =	stream.indirect.scatter.add.f32 [tilespmem:s19], [sflag:$0x1], $0x80, s21, s18, $0xb8;
	[tilespmem:$0x1C800] =	vst v63  }
0x3e: {  	_ =	swait.ge [sflag:s16], $0x4000  }
0x3f: {  	s21 =	smov.u32 s23;
	[sflag:s16] =	ssyncset.done $0x0  }
.Ltmp4:
0x40: {  	_ = 	snop;
	(pc) =	sbr.rel .LBB2_9-.Ltmp4, $1  }
0x41: {  	_ =	sdelay $0x3  }
.LBB2_2:
0x42: {  	[tilespmem:s20], [sflag:$0x1] =	stream.linear.gather [hbm4b:s7+s20], $0x2400, $0x38;
	[tilespmem:$0x1C800] =	vst v63  }
0x43: {  	_ =	swait.ge [sflag:s16], $0x2400  }
0x44: {  	[sflag:s16] =	ssyncset.done $0x0  }
0x45: {  	[sflag:s16] =	ssyncadd.s32 $0xFFFFDC00  }
0x46: {  	[tilespmem:s17], [sflag:$0x1] =	stream.linear.gather [hbm4b:s8+s20], $0x2400, $0x38;
	[tilespmem:$0x1C800] =	vst v63  }
0x47: {  	_ =	swait.ge [sflag:s16], $0x2400  }
0x48: {  	[sflag:s16] =	ssyncset.done $0x0  }
0x49: {  	s30 =	simm.s32 $0x0;
	[sflag:s16] =	ssyncadd.s32 $0xFFFFDC00  }
0x4a: {  	[tilespmem:s19], [sflag:$0x1] =	stream.indirect.gather [hbm4b:s2+s18], $0x80, s30, s18, $0xb8;
	[tilespmem:$0x1C800] =	vst v63  }
0x4b: {  	_ =	swait.ge [sflag:s16], $0x4000  }
0x4c: {  	[sflag:s16] =	ssyncset.done $0x0  }
0x4d: {  	s31 =	simm.s32 $0x2400;
	[sflag:s16] =	ssyncadd.s32 $0xFFFFC000  }
0x4e: {  	[spmem:s3] =	stream.indirect.scatter.add.f32 [tilespmem:s19], [sflag:$0x1], $0x80, s31, s18, $0xb8;
	[tilespmem:$0x1C800] =	vst v63  }
0x4f: {  	_ =	swait.ge [sflag:s16], $0x4000  }
0x50: {  	s21 =	simm.s32 $0x400;
	s20 =	simm.s32 $0x200;
	[sflag:s16] =	ssyncset.done $0x0  }
.LBB2_3:
0x51: {  	s22 =	sshra.s32 s20, $0x2  }
0x52: {  	[sflag:s16] =	ssyncadd.s32 $0xFFFFC000;
	s20 =	smov.u32 s21;
	s23 =	sadd.s32 $0x200, s21  }
0x53: {  	[tilespmem:s19], [sflag:$0x1] =	stream.indirect.gather [hbm4b:s2+s18], $0x80, s22, s18, $0xb8;
	[tilespmem:$0x1C800] =	vst v63  }
0x54: {  	p1 =	sne.s32 s21, $0x8E00;
	_ =	swait.ge [sflag:s16], $0x4000  }
.Ltmp5:
0x55: {  	[sflag:s16] =	ssyncset.done $0x0;
	(pc) =	sbr.rel @p1 .LBB2_3-.Ltmp5, $4  }
0x56: {  	s21 =	sadd.s32 $0x2400, s22;
	[sflag:s16] =	ssyncadd.s32 $0xFFFFC000  }
0x57: {  	[spmem:s3] =	stream.indirect.scatter.add.f32 [tilespmem:s19], [sflag:$0x1], $0x80, s21, s18, $0xb8;
	[tilespmem:$0x1C800] =	vst v63  }
0x58: {  	_ =	swait.ge [sflag:s16], $0x4000  }
0x59: {  	s21 =	smov.u32 s23;
	[sflag:s16] =	ssyncset.done $0x0  }
0x5a: {  	s20 =	sshra.s32 s20, $0x2;
	[sflag:s16] =	ssyncadd.s32 $0xFFFFC000  }
0x5b: {  	[tilespmem:s19], [sflag:$0x1] =	stream.indirect.gather [hbm4b:s2+s18], $0x80, s20, s18, $0xb8;
	[tilespmem:$0x1C800] =	vst v63  }
0x5c: {  	_ =	swait.ge [sflag:s16], $0x4000  }
0x5d: {  	[sflag:s16] =	ssyncset.done $0x0  }
0x5e: {  	s20 =	sadd.s32 $0x2400, s20;
	[sflag:s16] =	ssyncadd.s32 $0xFFFFC000  }
0x5f: {  	[spmem:s3] =	stream.indirect.scatter.add.f32 [tilespmem:s19], [sflag:$0x1], $0x80, s20, s18, $0xb8;
	[tilespmem:$0x1C800] =	vst v63  }
0x60: {  	_ =	swait.ge [sflag:s16], $0x4000  }
0x61: {  	[sflag:s16] =	ssyncset.done $0x0  }
0x62: {  	s29 =	simm.s32 $0x0;
	[sflag:s16] =	ssyncadd.s32 $0xFFFFC000  }
0x63: {  	[tilespmem:s29], [sflag:$0x1] =	stream.linear.gather [hbm4b:s9+s29], $0x2000, $0x38;
	[tilespmem:$0x1C800] =	vst v63  }
0x64: {  	_ =	swait.ge [sflag:s16], $0x2000  }
0x65: {  	[sflag:s16] =	ssyncset.done $0x0  }
0x66: {  	[sflag:s16] =	ssyncadd.s32 $0xFFFFE000  }
0x67: {  	[tilespmem:s17], [sflag:$0x1] =	stream.linear.gather [hbm4b:s10+s29], $0x2000, $0x38;
	[tilespmem:$0x1C800] =	vst v63  }
0x68: {  	_ =	swait.ge [sflag:s16], $0x2000  }
0x69: {  	[sflag:s16] =	ssyncset.done $0x0  }
0x6a: {  	s30 =	simm.s32 $0x0;
	[sflag:s16] =	ssyncadd.s32 $0xFFFFE000  }
0x6b: {  	[tilespmem:s19], [sflag:$0x1] =	stream.indirect.gather [hbm4b:s2+s18], $0x80, s30, s18, $0xb8;
	[tilespmem:$0x1C800] =	vst v63  }
0x6c: {  	_ =	swait.ge [sflag:s16], $0x4000  }
0x6d: {  	[sflag:s16] =	ssyncset.done $0x0  }
0x6e: {  	s31 =	simm.s32 $0x2400;
	[sflag:s16] =	ssyncadd.s32 $0xFFFFC000  }
0x6f: {  	[spmem:s3] =	stream.indirect.scatter.add.f32 [tilespmem:s19], [sflag:$0x1], $0x80, s31, s18, $0xb8;
	[tilespmem:$0x1C800] =	vst v63  }
0x70: {  	_ =	swait.ge [sflag:s16], $0x4000  }
0x71: {  	s21 =	simm.s32 $0x400;
	s20 =	simm.s32 $0x200;
	[sflag:s16] =	ssyncset.done $0x0  }
.LBB2_5:
0x72: {  	s22 =	sshra.s32 s20, $0x2  }
0x73: {  	[sflag:s16] =	ssyncadd.s32 $0xFFFFC000;
	s20 =	smov.u32 s21;
	s23 =	sadd.s32 $0x200, s21  }
0x74: {  	[tilespmem:s19], [sflag:$0x1] =	stream.indirect.gather [hbm4b:s2+s18], $0x80, s22, s18, $0xb8;
	[tilespmem:$0x1C800] =	vst v63  }
0x75: {  	p1 =	seq.s32 s21, $0x7E00;
	_ =	swait.ge [sflag:s16], $0x4000  }
.Ltmp6:
0x76: {  	[sflag:s16] =	ssyncset.done $0x0;
	(pc) =	sbr.rel @!p1 .LBB2_5-.Ltmp6, $4  }
0x77: {  	s21 =	sadd.s32 $0x2400, s22;
	[sflag:s16] =	ssyncadd.s32 $0xFFFFC000  }
0x78: {  	[spmem:s3] =	stream.indirect.scatter.add.f32 [tilespmem:s19], [sflag:$0x1], $0x80, s21, s18, $0xb8;
	[tilespmem:$0x1C800] =	vst v63  }
0x79: {  	_ =	swait.ge [sflag:s16], $0x4000  }
0x7a: {  	s21 =	smov.u32 s23;
	[sflag:s16] =	ssyncset.done $0x0  }
0x7b: {  	s20 =	sshra.s32 s20, $0x2;
	[sflag:s16] =	ssyncadd.s32 $0xFFFFC000  }
0x7c: {  	[tilespmem:s19], [sflag:$0x1] =	stream.indirect.gather [hbm4b:s2+s18], $0x80, s20, s18, $0xb8;
	[tilespmem:$0x1C800] =	vst v63  }
0x7d: {  	_ =	swait.ge [sflag:s16], $0x4000  }
0x7e: {  	[sflag:s16] =	ssyncset.done $0x0  }
.Ltmp7:
0x7f: {  	s20 =	sadd.s32 $0x2400, s20;
	[sflag:s16] =	ssyncadd.s32 $0xFFFFC000;
	(pc) =	sbr.rel .LBB2_10-.Ltmp7, $4  }
0x80: {  	[spmem:s3] =	stream.indirect.scatter.add.f32 [tilespmem:s19], [sflag:$0x1], $0x80, s20, s18, $0xb8;
	[tilespmem:$0x1C800] =	vst v63  }
0x81: {  	_ =	swait.ge [sflag:s16], $0x4000  }
0x82: {  	[sflag:s16] =	ssyncset.done $0x0  }
0x83: {  	[sflag:s16] =	ssyncadd.s32 $0xFFFFC000  }
.LBB2_11:
0x84: {  	_ =	sfence.sel $0x180000  }
0x85: {  	[bflag:$0x0] =	sbarrier.arrive $0xFFFF  }
0x86: {  	p0 =	sne.s32 s1, $0x0;
	_ =	strace $0x9000004D  }
0x87: {  	s0 =	sadd.s32 @!p0 $0x100000, s0;
	[bflag:$0x2] =	sbarrier.arrive $0xFFFF  }
0x88: {  	[sflag:s0] =	ssyncadd.tile.s32 @!p0 $0x1;
	_ =	shalt  }
.Lfunc_end2:
_tile_overlayer_lowered:
.L_overlay_start_2:
0x89: {  	(tag) =	ssettag $0x2  }
0x8a: {  	s0 =	rddreg [dreg:$0x0];
	s2 =	stileid.u32  }
0x8b: {  	s1 =	rddreg [dreg:$0x1];
	p0 =	sne.s32 s2, $0x0  }
0x8c: {  	s3 =	rddreg [dreg:$0x2];
	[bflag:$0x3] =	sbarrier.arrive $0xFFFF;
	s2 =	simm.s32 @!p0 $0x1C01  }
0x8d: {  	[timem:s3], [sflag:s2] =	dma.local @!p0 [hbm:s0], s1  }
0x8e: {  	s0 =	simm.s32 @!p0 $0x1  }
0x8f: {  	_ =	swait.ge @!p0 [sflag:s0], s1  }
0x90: {  	s1 =	ssub.s32 @!p0 $0x0, s1;
	[sflag:s0] =	ssyncset.done @!p0 $0x0  }
0x91: {  	[sflag:s0] =	ssyncadd.s32 @!p0 s1  }
0x92: {  	[bflag:$0x3] =	sbarrier.arrive $0xFFFF  }
0x93: {  	_ =	shalt  }

// kernel: kernel.8.cloned.1.call-start
scs
__scs_entry_jumppad:
0x0: {  	(pc) =	sbr.rel $0x88, $3  }
0x1: {  	(tag) =	ssettag $0x0;
	lr =	simm.s32 $0x1  }
0x2: {  	[smem:$0x3F9B] =	sst lr;
	_ =	strace $0xD0000000  }
0x3: {  	_ = 	snop  }
0x4: {  	_ = 	snop  }
0x5: {  	_ = 	snop  }
0x6: {  	_ = 	snop  }
0x7: {  	_ = 	snop  }
__scs_overlays_trampoline_lowered:
0x8: {  	[smem:$0x3FAA] =	sst s0  }
0x9: {  	[smem:$0x3FAB] =	sst s1  }
0xa: {  	[smem:$0x3FAC] =	sst s2  }
0xb: {  	[smem:$0x3FAD] =	sst s3  }
0xc: {  	[smem:$0x3FAE] =	sst s4  }
0xd: {  	[smem:$0x3FAF] =	sst s5  }
0xe: {  	[smem:$0x3FB0] =	sst s6  }
0xf: {  	[smem:$0x3FB1] =	sst s7  }
0x10: {  	[smem:$0x3FB2] =	sst s8  }
0x11: {  	[smem:$0x3FB3] =	sst s9;
	s0 =	simm.s32 @!p0 $0x0  }
0x12: {  	s1 =	sld [smem:$0x3F99];
	s0 =	simm.s32 @p0 $0x1  }
0x13: {  	[smem:$0x3FB4] =	sst s0;
	s0 =	simm.s32 @!p1 $0x0  }
0x14: {  	s2 =	sld [smem:$0x3F98];
	s0 =	simm.s32 @p1 $0x1  }
0x15: {  	[smem:$0x3FB5] =	sst s0;
	s0 =	simm.s32 @!p2 $0x0  }
0x16: {  	s3 =	sld [smem:$0x3FDB];
	s0 =	simm.s32 @p2 $0x1  }
0x17: {  	s4 =	simm.s32 $0x1BF5;
	[smem:$0x3FB7] =	sst s0  }
0x18: {  	s0 =	sld [smem:$0x3F9A];
	_ =	swait.ge [sflag:s4], $0x0  }
0x19: {  	s7 =	sld [smem:$0x3F9B]  }
0x1a: {  	s8 =	sadd.s32 $0xFFFFE003, lr  }
0x1b: {  	s9 =	sadd.s32 $0xFFFFFEF7, lr;
	s5 =	simm.s32 $0xFFFFFFFF;
	p2 =	slt.u32 s8, $0xFFFFF086  }
0x1c: {  	p1 =	slt.u32 s9, $0xF7A;
	s5 =	simm.s32 @!p2 $0x0  }
0x1d: {  	s5 =	simm.s32 @p1 $0x1;
	p0 =	seq.s32 s7, s2  }
0x1e: {  	s7 =	smul.u32 @!p0 $0xF7A, s2;
	p2 =	seq.s32 @!p0 s5, $0x0  }
0x1f: {  	s9 =	smul.u32 $0xF7A, s1;
	s8 =	simm.s32 @!p0 $0x1BF5;
	p2 =	por !p2, p0  }
0x20: {  	[sflag:s8] =	ssyncset.s32 @!p0 $0xFFFFF086;
	s6 =	sadd.s32 @!p0 s3, s7;
	s7 =	simm.s32 @!p0 $0x108  }
0x21: {  	s3 =	sadd.s32 s3, s9;
	s6 =	sadd.s32 @!p0 $0x88, s6;
	s7 =	simm.s32 @p2 $0x1082  }
0x22: {  	[simem:s7], [sflag:s8] =	dma.local @!p0 [hbm:s6], $0xF7A  }
0x23: {  	s9 =	sor.u32 $0xD0000000, s2;
	s6 =	simm.s32 $0x108;
	_ =	swait.ge @!p0 [sflag:s8], $0x0  }
0x24: {  	s3 =	sadd.s32 $0x88, s3;
	s6 =	simm.s32 @!p1 $0x1082;
	[sflag:s4] =	ssyncset.s32 $0xFFFFF086  }
0x25: {  	[simem:s6], [sflag:s4] =	dma.local [hbm:s3], $0xF7A  }
0x26: {  	[smem:$0x3F9B] =	sst s1;
	(tag) =	ssettag s2;
	_ =	strace s9  }
0x27: {  	s1 =	sld [smem:$0x3FAB]  }
0x28: {  	s2 =	sld [smem:$0x3FAC]  }
0x29: {  	s4 =	sld [smem:$0x3FAE]  }
0x2a: {  	p0 =	seq.s32 s5, $0x0;
	s5 =	sld [smem:$0x3FAF]  }
0x2b: {  	s6 =	sld [smem:$0x3FB0]  }
0x2c: {  	s7 =	sld [smem:$0x3FB1]  }
0x2d: {  	s3 =	simm.s32 $0x108;
	s8 =	sld [smem:$0x3FB2]  }
0x2e: {  	s3 =	simm.s32 @!p0 $0x1082;
	s9 =	sld [smem:$0x3FB3]  }
0x2f: {  	lr =	sadd.s32 s0, s3;
	s0 =	sld [smem:$0x3FAA]  }
0x30: {  	s3 =	sld [smem:$0x3FAD]  }
0x31: {  	[smem:$0x3FB6] =	sst s10  }
0x32: {  	s10 =	sld [smem:$0x3FB4];
	_ =	sdelay $0x3  }
0x33: {  	p0 =	seq.s32 s10, $0x1;
	s10 =	sld [smem:$0x3FB6];
	_ =	sdelay $0x3  }
0x34: {  	[smem:$0x3FB6] =	sst s10  }
0x35: {  	s10 =	sld [smem:$0x3FB5];
	_ =	sdelay $0x3  }
0x36: {  	p1 =	seq.s32 s10, $0x1;
	s10 =	sld [smem:$0x3FB6];
	_ =	sdelay $0x3  }
0x37: {  	[smem:$0x3FB6] =	sst s10  }
0x38: {  	s10 =	sld [smem:$0x3FB7]  }
0x39: {  	_ = 	snop;
	(pc) =	sbr.ind lr, $3  }
0x3a: {  	_ = 	snop  }
0x3b: {  	_ = 	snop  }
0x3c: {  	p2 =	seq.s32 s10, $0x1;
	s10 =	sld [smem:$0x3FB6]  }
0x3d: {  	_ =	shalt  }
0x3e: {  	_ =	shalt  }
0x3f: {  	_ =	shalt  }
0x40: {  	_ =	shalt  }
0x41: {  	_ =	shalt  }
0x42: {  	_ =	shalt  }
0x43: {  	_ =	shalt  }
0x44: {  	_ =	shalt  }
0x45: {  	_ =	shalt  }
0x46: {  	_ =	shalt  }
0x47: {  	_ =	shalt  }
0x48: {  	_ =	shalt  }
0x49: {  	_ =	shalt  }
0x4a: {  	_ =	shalt  }
0x4b: {  	_ =	shalt  }
0x4c: {  	_ =	shalt  }
0x4d: {  	_ =	shalt  }
0x4e: {  	_ =	shalt  }
0x4f: {  	_ =	shalt  }
0x50: {  	_ =	shalt  }
0x51: {  	_ =	shalt  }
0x52: {  	_ =	shalt  }
0x53: {  	_ =	shalt  }
0x54: {  	_ =	shalt  }
0x55: {  	_ =	shalt  }
0x56: {  	_ =	shalt  }
0x57: {  	_ =	shalt  }
0x58: {  	_ =	shalt  }
0x59: {  	_ =	shalt  }
0x5a: {  	_ =	shalt  }
0x5b: {  	_ =	shalt  }
0x5c: {  	_ =	shalt  }
0x5d: {  	_ =	shalt  }
0x5e: {  	_ =	shalt  }
0x5f: {  	_ =	shalt  }
0x60: {  	_ =	shalt  }
0x61: {  	_ =	shalt  }
0x62: {  	_ =	shalt  }
0x63: {  	_ =	shalt  }
0x64: {  	_ =	shalt  }
0x65: {  	_ =	shalt  }
0x66: {  	_ =	shalt  }
0x67: {  	_ =	shalt  }
0x68: {  	_ =	shalt  }
0x69: {  	_ =	shalt  }
0x6a: {  	_ =	shalt  }
0x6b: {  	_ =	shalt  }
0x6c: {  	_ =	shalt  }
0x6d: {  	_ =	shalt  }
0x6e: {  	_ =	shalt  }
0x6f: {  	_ =	shalt  }
0x70: {  	_ =	shalt  }
0x71: {  	_ =	shalt  }
0x72: {  	_ =	shalt  }
0x73: {  	_ =	shalt  }
0x74: {  	_ =	shalt  }
0x75: {  	_ =	shalt  }
0x76: {  	_ =	shalt  }
0x77: {  	_ =	shalt  }
0x78: {  	_ =	shalt  }
0x79: {  	_ =	shalt  }
0x7a: {  	_ =	shalt  }
0x7b: {  	_ =	shalt  }
0x7c: {  	_ =	shalt  }
0x7d: {  	_ =	shalt  }
0x7e: {  	_ =	shalt  }
0x7f: {  	_ =	shalt  }
0x80: {  	_ =	shalt  }
0x81: {  	_ =	shalt  }
0x82: {  	_ =	shalt  }
0x83: {  	_ =	shalt  }
0x84: {  	_ =	shalt  }
0x85: {  	_ =	shalt  }
0x86: {  	_ =	shalt  }
0x87: {  	_ =	shalt  }
.Lfunc_end0:
.L_simem_size_0:
called_computation_lowered:
.L_overlay_start_0:
0x88: {  	s2 =	sld [smem:$0x3FD9]  }
0x89: {  	s3 =	sld [smem:$0x3FFE];
	_ =	sdelay $0x1  }
0x8a: {  	s1 =	srdreg.scid  }
0x8b: {  	s0 =	sand.u32 $0x1, s1  }
0x8c: {  	s17 =	sshll.u32 s0, $0xA;
	s2 =	sadd.s32 s3, s2  }
0x8d: {  	s2 =	sadd.s32 s2, s17  }
0x8e: {  	[smem:$0x3FC2] =	sst s2  }
0x8f: {  	_ = 	snop  }
0x90: {  	s2 =	sld [smem:$0x3FD0];
	(tm) =	ssettm $0x1  }
0x91: {  	s18 =	sld [smem:$0x3FFB];
	_ =	sdelay $0x3  }
0x92: {  	_ =	strace s18  }
0x93: {  	s3 =	sld [smem:$0x3FFC];
	_ =	sdelay $0x3  }
0x94: {  	_ =	strace s3  }
0x95: {  	s3 =	sld [smem:$0x3FFD];
	_ =	sdelay $0x3  }
0x96: {  	_ =	strace s3  }
0x97: {  	_ =	strace $0x8FFFFFFF  }
0x98: {  	s19 =	sld [smem:$0x3FDB];
	_ =	sdelay $0x1  }
0x99: {  	s4 =	simm.s32 $_scs_section_size  }
0x9a: {  	s5 =	simm.s32 $_size__tile_overlayer_lowered;
	s6 =	simm.s32 $_tile_overlayer_lowered  }
0x9b: {  	s22 =	simm.s32 $0x1BFF;
	s21 =	sshll.u32 s6, $0x1;
	s3 =	sadd.s32 s4, s19  }
0x9c: {  	s7 =	simm.s32 $0x0;
	s20 =	sshll.u32 s5, $0x1;
	s5 =	sadd.s32 s21, s3  }
0x9d: {  	[timem:s7], [sflag:s22] =	dma.local [hbm:s5], s20  }
0x9e: {  	_ =	swait.ge [sflag:s22], s20  }
0x9f: {  	s4 =	ssub.s32 $0x0, s20;
	[sflag:s22] =	ssyncset.done $0x0  }
0xa0: {  	[sflag:s22] =	ssyncadd.s32 s4;
	_ =	sdelay $0x1  }
0xa1: {  	s23 =	simm.s32 $0x1B8B  }
0xa2: {  	_ =	swait.ge [sflag:s23], $0x1  }
0xa3: {  	[sflag:s23] =	ssyncset.done $0x0  }
0xa4: {  	s25 =	simm.s32 $0x1B8E;
	s24 =	sld [smem:$0x3FFE];
	[sflag:s23] =	ssyncadd.s32 $0xFFFFFFFF  }
0xa5: {  	s26 =	simm.s32 $execute0_lowered;
	[smem:$0x3FD2] =	sst s25  }
0xa6: {  	s5 =	sshll.u32 s26, $0x1;
	_ =	strace $0x80000046;
	[dreg:$0x1] =	wrdreg $0xFFFFFFFF  }
0xa7: {  	s28 =	simm.s32 $_size_execute0_lowered;
	s3 =	sadd.s32 s3, s5;
	[dreg:$0x0] =	wrdreg $0x0  }
0xa8: {  	s5 =	sshll.u32 s28, $0x1;
	[dreg:$0x2] =	wrdreg s3  }
0xa9: {  	[dreg:$0x3] =	wrdreg s5  }
0xaa: {  	[dreg:$0x4] =	wrdreg $0xC0  }
0xab: {  	_ =	task [dreg:s7], $0x5FFFF  }
0xac: {  	[dreg:$0x1] =	wrdreg $0xFFFFFFFF  }
0xad: {  	[dreg:$0x0] =	wrdreg $0x60  }
0xae: {  	[dreg:$0x2] =	wrdreg s2  }
0xaf: {  	[dreg:$0x3] =	wrdreg s24  }
0xb0: {  	[dreg:$0x4] =	wrdreg $0x68000  }
0xb1: {  	[dreg:$0x5] =	wrdreg $0x9  }
0xb2: {  	_ =	task.clear_ibuf [dreg:s7], $0x6FFFF;
	_ =	strace $0x90000046  }
0xb3: {  	s29 =	simm.s32 $0x9;
	_ =	strace $0x80000048  }
0xb4: {  	_ =	swait.ge [sflag:s29], $0x1  }
0xb5: {  	[sflag:s29] =	ssyncadd.s32 $0xFFFFFFFF  }
0xb6: {  	_ =	strace $0x90000048  }
0xb7: {  	_ =	sfence  }
0xb8: {  	s30 =	sld [smem:$0x0];
	_ =	sdelay $0x2  }
0xb9: {  	s31 =	sshll.u32 s1, $0xD;
	s1 =	sshrl.u32 s1, $0x2  }
0xba: {  	s3 =	sand.u32 $0x4000, s31;
	s1 =	sadd.s32 s1, s30  }
0xbb: {  	s0 =	sor.u32 s3, s0;
	s1 =	sshll.u32 s1, $0x11  }
0xbc: {  	s0 =	sor.u32 s1, s0  }
0xbd: {  	s0 =	sadd.s32 $0x8F2B, s0  }
0xbe: {  	[sflag:s0] =	ssyncadd.remote.s32 $0x1  }
0xbf: {  	_ =	sfence.sel $0xFFFF  }
0xc0: {  	[dreg:$0x0] =	wrdreg $0xFFFFFFFF;
	(pc) =	sbr.abs _section_cstart, $3  }
0xc1: {  	[dreg:$0x1] =	wrdreg $0xFFFFFFFF  }
0xc2: {  	_ =	task.clear_ibuf [dreg:s7], $0x2FFFF;
	_ =	strace $0x9FFFFFFF  }
0xc3: {  	(tm) =	ssettm $0x7FFFFFFF  }
tec
execute0_lowered:
.L_overlay_start_1:
0x0: {  	(tag) =	ssettag $0x1  }
0x1: {  	s7 =	rddreg [dreg:$0x0]  }
0x2: {  	s5 =	rddreg [dreg:$0x1]  }
0x3: {  	s2 =	rddreg [dreg:$0x2]  }
0x4: {  	s0 =	rddreg [dreg:$0x3]  }
0x5: {  	s1 =	stileid.u32;
	s4 =	srdreg.scid  }
0x6: {  	s3 =	simm.s32 $0x0;
	s13 =	simm.s32 $0x80;
	s14 =	simm.s32 $0x0  }
0x7: {  	s6 =	smul.u32 $0x2800, s1;
	s8 =	sand.u32 $0x1, s4;
	[smem:$0x7FF] =	sst s3  }
0x8: {  	s4 =	sadd.s32 $0xC600, s5;
	s11 =	smul.u32 $0x50000, s1;
	s31 =	sshll.u32 s1, $0x6  }
0x9: {  	s9 =	smul.u32 $0x28000, s8;
	_ =	strace $0x80000047;
	s26 =	ssub.s32 $0x2, s8  }
0xa: {  	s8 =	sshll.u32 s8, $0x4;
	s10 =	sadd.s32 s6, s5;
	s28 =	sshrl.u32 s26, $0x1  }
0xb: {  	s29 =	sor.u32 s1, s8;
	s30 =	sshrl.u32 s11, $0x2;
	s6 =	sadd.s32 s6, s9  }
0xc: {  	s9 =	ssub.s32 s26, s28;
	s8 =	smul.u32 $0x500, s29;
	s11 =	sadd.s32 s30, s2  }
0xd: {  	s12 =	sadd.s32 s6, s5;
	s5 =	sadd.s32 $0xCE00, s10;
	s6 =	sor.u32 $0x1C01, s31  }
0xe: {  	s9 =	smax.u32 s9, $0x1;
	s10 =	sshrl.u32 s11, $0x3;
	s11 =	simm.s32 $0x1  }
0xf: {  	s7 =	sadd.s32 s7, s8;
	s8 =	sadd.s32 $0x34E00, s12;
	s12 =	simm.s32 $0x2800  }
.LBB2_1:
0x10: {  	[spmem:s10], [sflag:s6] =	dma.local [hbm:s5], $0x2800  }
0x11: {  	_ =	swait.ge [sflag:s11], $0x2800  }
0x12: {  	[sflag:s11] =	ssyncset.done $0x0  }
0x13: {  	[sflag:s11] =	ssyncadd.s32 $0xFFFFD800  }
0x14: {  	[tilespmem:s3], [sflag:$0x1] =	stream.linear.gather [hbm4b:s7+s3], $0x2800, $0x38;
	[tilespmem:$0x1A800] =	vst v63  }
0x15: {  	_ =	swait.ge [sflag:s11], $0x2800  }
0x16: {  	[sflag:s11] =	ssyncset.done $0x0  }
0x17: {  	[sflag:s11] =	ssyncadd.s32 $0xFFFFD800  }
0x18: {  	[tilespmem:s12], [sflag:$0x1] =	stream.linear.gather [hbm4b:s4+s3], $0x4000, $0x38;
	[tilespmem:$0x1A800] =	vst v63  }
0x19: {  	_ =	swait.ge [sflag:s11], $0x4000  }
0x1a: {  	[sflag:s11] =	ssyncset.done $0x0  }
0x1b: {  	[sflag:s11] =	ssyncadd.s32 $0xFFFFC000  }
0x1c: {  	s15 =	simm.s32 $0x0;
	[bflag:$0x0] =	sbarrier.arrive $0xFFFF  }
0x1d: {  	[spmem:s2] =	stream.indirect.scatter.add.f32 [tilespmem:s12], [sflag:$0x1], $0x80, s15, s13, $0xb8;
	[tilespmem:$0x1A800] =	vst v63  }
0x1e: {  	_ =	swait.ge [sflag:s11], $0x4000  }
0x1f: {  	s15 =	simm.s32 $0x200;
	[sflag:s11] =	ssyncset.done $0x0  }
.LBB2_2:
0x20: {  	s16 =	sshra.s32 s15, $0x2;
	[sflag:s11] =	ssyncadd.s32 $0xFFFFC000;
	p0 =	sne.s32 s15, $0x9E00  }
0x21: {  	[spmem:s2] =	stream.indirect.scatter.add.f32 [tilespmem:s12], [sflag:$0x1], $0x80, s16, s13, $0xb8;
	[tilespmem:$0x1A800] =	vst v63  }
.Ltmp0:
0x22: {  	_ = 	snop;
	(pc) =	sbr.rel @p0 .LBB2_2-.Ltmp0, $4  }
0x23: {  	_ = 	snop  }
0x24: {  	s15 =	sadd.s32 $0x200, s15  }
0x25: {  	_ =	swait.ge [sflag:s11], $0x4000  }
0x26: {  	[sflag:s11] =	ssyncset.done $0x0  }
0x27: {  	s14 =	sadd.s32 $0x1, s14  }
0x28: {  	[sflag:s11] =	ssyncadd.s32 $0xFFFFC000;
	p0 =	sne.s32 s14, s9  }
.Ltmp1:
0x29: {  	[bflag:$0x0] =	sbarrier.arrive $0xFFFF;
	(pc) =	sbr.rel @p0 .LBB2_1-.Ltmp1, $4  }
0x2a: {  	[hbm:s8], [sflag:s6] =	dma.local [spmem:s10], $0x2800  }
0x2b: {  	_ =	swait.ge [sflag:s11], $0x2800  }
0x2c: {  	[sflag:s11] =	ssyncset.done $0x0  }
0x2d: {  	[sflag:s11] =	ssyncadd.s32 $0xFFFFD800  }
0x2e: {  	_ =	sfence.sel $0x180000  }
0x2f: {  	[bflag:$0x0] =	sbarrier.arrive $0xFFFF  }
0x30: {  	p0 =	sne.s32 s1, $0x0;
	_ =	strace $0x90000047  }
0x31: {  	s0 =	sadd.s32 @!p0 $0x100000, s0;
	[bflag:$0x2] =	sbarrier.arrive $0xFFFF  }
0x32: {  	[sflag:s0] =	ssyncadd.tile.s32 @!p0 $0x1;
	_ =	shalt  }
.Lfunc_end2:
_tile_overlayer_lowered:
.L_overlay_start_2:
0x33: {  	(tag) =	ssettag $0x2  }
0x34: {  	s0 =	rddreg [dreg:$0x0];
	s2 =	stileid.u32  }
0x35: {  	s1 =	rddreg [dreg:$0x1];
	p0 =	sne.s32 s2, $0x0  }
0x36: {  	s3 =	rddreg [dreg:$0x2];
	[bflag:$0x3] =	sbarrier.arrive $0xFFFF;
	s2 =	simm.s32 @!p0 $0x1C01  }
0x37: {  	[timem:s3], [sflag:s2] =	dma.local @!p0 [hbm:s0], s1  }
0x38: {  	s0 =	simm.s32 @!p0 $0x1  }
0x39: {  	_ =	swait.ge @!p0 [sflag:s0], s1  }
0x3a: {  	s1 =	ssub.s32 @!p0 $0x0, s1;
	[sflag:s0] =	ssyncset.done @!p0 $0x0  }
0x3b: {  	[sflag:s0] =	ssyncadd.s32 @!p0 s1  }
0x3c: {  	[bflag:$0x3] =	sbarrier.arrive $0xFFFF  }
0x3d: {  	_ =	shalt  }

</sc_bundles>
